<compile_context>
chip_gen: v7x
topology: tpu7x:2x2x1
jax: 0.10.2.dev20260603
libtpu: 0.0.44.dev20260713+nightly
codegen_flags: <defaults>
</compile_context>

<pallas_src>
import functools

import jax
import jax.numpy as jnp
from jax import lax
from jax.experimental import pallas as pl
from jax.experimental.pallas import tpu as pltpu
from jax.experimental.pallas import tpu_sc as plsc

_EXTENT = 2.5 * 1.2 / 2.5
_BN_EPS = 1e-5
_K = 15
_CIN = 128
_COUT = 128
_H = 32

_NW = 32
_SUB = 80
_NSUB = 5
_CH = _SUB * _NSUB
_L = 16


def _sc_gather(idx3, x, sx, sy, sz):
    n_rows = idx3.shape[1]
    n_ch = n_rows // _NSUB
    e_per_w = n_rows * _SUB
    E = _NW * e_per_w
    npts = x.shape[0]
    mesh = plsc.VectorSubcoreMesh(core_axis_name="c", subcore_axis_name="s")

    @functools.partial(
        pl.kernel,
        mesh=mesh,
        compiler_params=pltpu.CompilerParams(needs_layout_passes=False),
        out_type=[
            jax.ShapeDtypeStruct((E, _CIN), jnp.float32),
            jax.ShapeDtypeStruct((E,), jnp.float32),
            jax.ShapeDtypeStruct((E,), jnp.float32),
            jax.ShapeDtypeStruct((E,), jnp.float32),
        ],
        scratch_types=[
            pltpu.VMEM((n_rows, _SUB), jnp.int32),
            pltpu.VMEM((_CH, _CIN), jnp.float32),
            pltpu.VMEM((npts,), jnp.float32),
            pltpu.VMEM((npts,), jnp.float32),
            pltpu.VMEM((npts,), jnp.float32),
            pltpu.VMEM((_CH,), jnp.float32),
            pltpu.VMEM((_CH,), jnp.float32),
            pltpu.VMEM((_CH,), jnp.float32),
            pltpu.SemaphoreType.DMA,
        ],
    )
    def k(idx_hbm, x_hbm, sx_hbm, sy_hbm, sz_hbm,
          nx_out, sx_out, sy_out, sz_out,
          idx_v, nx_v, sx_v, sy_v, sz_v, cx_v, cy_v, cz_v, sem):
        wid = lax.axis_index("s") * 2 + lax.axis_index("c")
        pltpu.sync_copy(idx_hbm.at[wid], idx_v)
        pltpu.sync_copy(sx_hbm, sx_v)
        pltpu.sync_copy(sy_hbm, sy_v)
        pltpu.sync_copy(sz_hbm, sz_v)

        def body(j, carry):
            base = pl.multiple_of(wid * e_per_w + j * _CH, 8)
            copies = []
            for b in range(_NSUB):
                copies.append(
                    pltpu.async_copy(x_hbm.at[idx_v.at[j * _NSUB + b]],
                                     nx_v.at[pl.ds(b * _SUB, _SUB)], sem))
            per_row = _SUB // _L
            for g in range(_CH // _L):
                row = j * _NSUB + g // per_row
                col = (g % per_row) * _L
                ivec = idx_v[row, pl.ds(col, _L)]
                off = g * _L
                cx_v[pl.ds(off, _L)] = plsc.load_gather(sx_v, [ivec])
                cy_v[pl.ds(off, _L)] = plsc.load_gather(sy_v, [ivec])
                cz_v[pl.ds(off, _L)] = plsc.load_gather(sz_v, [ivec])
            for c in copies:
                c.wait()
            pltpu.sync_copy(nx_v, nx_out.at[pl.ds(base, _CH)])
            pltpu.sync_copy(cx_v, sx_out.at[pl.ds(base, _CH)])
            pltpu.sync_copy(cy_v, sy_out.at[pl.ds(base, _CH)])
            pltpu.sync_copy(cz_v, sz_out.at[pl.ds(base, _CH)])
            return carry

        lax.fori_loop(0, n_ch, body, 0)

    return k(idx3, x, sx, sy, sz)


def _tc_kpconv(kp_sm, qp, sxg, syg, szg, nx, wr, blk):
    n = qp.shape[0]
    grid = (n // blk,)

    def body(kp_ref, qp_ref, sx_ref, sy_ref, sz_ref, nx_ref, wr_ref,
             feat_ref, stats_ref):
        i = pl.program_id(0)
        nx2 = nx_ref[...].astype(jnp.bfloat16)
        cx = sx_ref[...] - qp_ref[:, 0:1]
        cy = sy_ref[...] - qp_ref[:, 1:2]
        cz = sz_ref[...] - qp_ref[:, 2:3]
        rows = lax.broadcasted_iota(jnp.int32, (_H, _H * _CIN), 0)
        cols = lax.broadcasted_iota(jnp.int32, (_H, _H * _CIN), 1)
        smat = (cols // _CIN == rows).astype(jnp.bfloat16)
        parts = []
        for kk in range(_K):
            dx = cx - kp_ref[kk, 0]
            dy = cy - kp_ref[kk, 1]
            dz = cz - kp_ref[kk, 2]
            sq = dx * dx + dy * dy + dz * dz
            w = jnp.maximum(1.0 - jnp.sqrt(sq) * (1.0 / _EXTENT), 0.0)
            wb = jnp.dot(w.astype(jnp.bfloat16), smat,
                         preferred_element_type=jnp.float32)
            p = wb.astype(jnp.bfloat16) * nx2
            p = p[:, :p.shape[1] // 2] + p[:, p.shape[1] // 2:]
            p = p.astype(jnp.float32)
            while p.shape[1] > _CIN:
                half = p.shape[1] // 2
                p = p[:, :half] + p[:, half:]
            parts.append(p)
        wf = jnp.concatenate(parts, axis=1)
        out = jnp.dot(wf.astype(jnp.bfloat16), wr_ref[...],
                      preferred_element_type=jnp.float32)
        feat_ref[...] = out

        @pl.when(i == 0)
        def _():
            stats_ref[...] = jnp.zeros_like(stats_ref)

        col = jnp.concatenate(
            [jnp.sum(out, axis=0, keepdims=True),
             jnp.sum(out * out, axis=0, keepdims=True)], axis=0)
        stats_ref[...] += col

    return pl.pallas_call(
        body,
        grid=grid,
        in_specs=[
            pl.BlockSpec(memory_space=pltpu.SMEM),
            pl.BlockSpec((blk, 16), lambda i: (i, 0)),
            pl.BlockSpec((blk, _H), lambda i: (i, 0)),
            pl.BlockSpec((blk, _H), lambda i: (i, 0)),
            pl.BlockSpec((blk, _H), lambda i: (i, 0)),
            pl.BlockSpec((blk, _H * _CIN), lambda i: (i, 0)),
            pl.BlockSpec((_K * _CIN, _COUT), lambda i: (0, 0)),
        ],
        out_specs=[
            pl.BlockSpec((blk, _COUT), lambda i: (i, 0)),
            pl.BlockSpec((2, _COUT), lambda i: (0, 0)),
        ],
        out_shape=[
            jax.ShapeDtypeStruct((n, _COUT), jnp.float32),
            jax.ShapeDtypeStruct((2, _COUT), jnp.float32),
        ],
    )(kp_sm, qp, sxg, syg, szg, nx, wr)


def _tc_norm(feat, stats, gamma, beta, blk):
    n = feat.shape[0]
    inv_n = 1.0 / n

    def body(feat_ref, stats_ref, g_ref, b_ref, out_ref):
        s = stats_ref[0:1, :]
        ss = stats_ref[1:2, :]
        mean = s * inv_n
        var = ss * inv_n - mean * mean
        scale = g_ref[...] * lax.rsqrt(var + _BN_EPS)
        shift = b_ref[...] - mean * scale
        normed = feat_ref[...] * scale + shift
        out_ref[...] = jnp.where(normed >= 0, normed, 0.1 * normed)

    return pl.pallas_call(
        body,
        grid=(n // blk,),
        in_specs=[
            pl.BlockSpec((blk, _COUT), lambda i: (i, 0)),
            pl.BlockSpec((2, _COUT), lambda i: (0, 0)),
            pl.BlockSpec((1, _COUT), lambda i: (0, 0)),
            pl.BlockSpec((1, _COUT), lambda i: (0, 0)),
        ],
        out_specs=pl.BlockSpec((blk, _COUT), lambda i: (i, 0)),
        out_shape=jax.ShapeDtypeStruct((n, _COUT), jnp.float32),
    )(feat, stats, gamma, beta)


def kernel(x, q_pts, s_pts, neighb_inds, kernel_points, weights, gamma, beta):
    n, h = neighb_inds.shape
    e = n * h
    idx = neighb_inds.astype(jnp.int32).reshape(-1)
    idx3 = idx.reshape(_NW, (e // _NW) // _SUB, _SUB)
    q_pad = jnp.concatenate(
        [q_pts, jnp.zeros((n, 13), q_pts.dtype)], axis=1)
    kp_sm = jnp.pad(kernel_points.astype(jnp.float32), ((0, 1), (0, 1)))

    nx_flat, sxg, syg, szg = _sc_gather(
        idx3, x, s_pts[:, 0], s_pts[:, 1], s_pts[:, 2])
    nx = nx_flat.reshape(n, h * _CIN)

    wr = weights.reshape(_K * _CIN, _COUT).astype(jnp.bfloat16)
    blk = 400
    feat, stats = _tc_kpconv(kp_sm, q_pad, sxg.reshape(n, h),
                             syg.reshape(n, h), szg.reshape(n, h),
                             nx, wr, blk)
    out = _tc_norm(feat, stats, gamma.reshape(1, _COUT),
                   beta.reshape(1, _COUT), blk)
    return out

# --- scband reference (transcript-rebuilt; emitter-appended) ---
"""Pipeline reference for scband-simple-block-76424648066047 (READ-ONLY COPY).

The authoritative reference and input builder live on the scoring server;
editing this copy changes nothing except your own understanding.
"""

import jax, jax.numpy as jnp
import numpy as np

K_POINTS = 15
IN_DIM = 128
OUT_DIM = 256
CONV_OUT = OUT_DIM // 2
RADIUS = 2.5
KP_EXTENT_CFG = 1.2
CONV_RADIUS = 2.5
EXTENT = RADIUS * KP_EXTENT_CFG / CONV_RADIUS  # current_extent = 1.2
BN_EPS = 1e-5
N_PTS = 10000
N_NEIGH = 32


def _make_kernel_points():
    # Deterministic stand-in for the pre-optimized KPConv kernel point dispositions,
    # scaled by the current extent (first point at the center, as in KPConv).
    rng = np.random.RandomState(42)
    dirs = rng.normal(size=(K_POINTS, 3)).astype(np.float32)
    dirs = dirs / (np.linalg.norm(dirs, axis=1, keepdims=True) + 1e-9)
    radii = rng.uniform(0.0, 1.0, size=(K_POINTS, 1)).astype(np.float32) ** (1.0 / 3.0)
    kp = dirs * radii * EXTENT
    kp[0, :] = 0.0
    return jnp.asarray(kp)


def setup_inputs(seed: int = 0) -> dict:
    key = jax.random.key(seed)
    k1, k2, k3, k4, k5 = jax.random.split(key, 5)
    x = jax.random.normal(k1, (N_PTS, IN_DIM), dtype=jnp.float32)
    q_pts = jax.random.uniform(k2, (N_PTS, 3), dtype=jnp.float32)
    s_pts = jax.random.uniform(k3, (N_PTS, 3), dtype=jnp.float32)
    neighb_inds = jax.random.randint(k4, (N_PTS, N_NEIGH), 0, N_PTS, dtype=jnp.int64)
    # KPConv learned weights: [K, in_dim, out_dim//2], kaiming-style scale
    fan_in = K_POINTS * IN_DIM
    weights = jax.random.normal(k5, (K_POINTS, IN_DIM, CONV_OUT), dtype=jnp.float32) * jnp.sqrt(2.0 / fan_in)
    kernel_points = _make_kernel_points()
    gamma = jnp.ones((CONV_OUT,), dtype=jnp.float32)
    beta = jnp.zeros((CONV_OUT,), dtype=jnp.float32)
    return {
        "x": x,
        "q_pts": q_pts,
        "s_pts": s_pts,
        "neighb_inds": neighb_inds,
        "kernel_points": kernel_points,
        "weights": weights,
        "gamma": gamma,
        "beta": beta,
    }


def _kpconv(q_pts, s_pts, neighb_inds, x, kernel_points, weights):
    # Add a fake 'shadow' support point far away (index N_s is out-of-range pad in KPConv)
    s_pad = jnp.concatenate([s_pts, jnp.full((1, 3), 1e6, dtype=s_pts.dtype)], axis=0)
    neighbors = jnp.take(s_pad, neighb_inds, axis=0)            # [N, H, 3] (gather)
    neighbors = neighbors - q_pts[:, None, :]                    # center on query point
    differences = neighbors[:, :, None, :] - kernel_points[None, None, :, :]  # [N, H, K, 3]
    sq_distances = jnp.sum(differences ** 2, axis=-1)            # [N, H, K]
    # linear influence: max(0, 1 - d / extent)
    all_weights = jnp.maximum(1.0 - jnp.sqrt(sq_distances) / EXTENT, 0.0)     # [N, H, K]
    all_weights = jnp.transpose(all_weights, (0, 2, 1))          # [N, K, H]
    # Pad features with a zero row for the shadow point
    x_pad = jnp.concatenate([x, jnp.zeros((1, x.shape[1]), dtype=x.dtype)], axis=0)
    neighb_x = jnp.take(x_pad, neighb_inds, axis=0)              # [N, H, Cin] (gather)
    weighted_feats = jnp.matmul(all_weights, neighb_x)           # [N, K, Cin]
    # Apply per-kernel-point weight matrices and sum over kernel points
    out = jnp.einsum('nkc,kcd->nd', weighted_feats, weights)     # [N, Cout]
    return out


def _batch_norm_leaky(feat, gamma, beta):
    mean = jnp.mean(feat, axis=0, keepdims=True)
    var = jnp.var(feat, axis=0, keepdims=True)
    normed = (feat - mean) / jnp.sqrt(var + BN_EPS)
    normed = normed * gamma[None, :] + beta[None, :]
    return jnp.where(normed >= 0, normed, 0.1 * normed)  # LeakyReLU(0.1)


def reference(x, q_pts, s_pts, neighb_inds, kernel_points, weights, gamma, beta):
    feat = _kpconv(q_pts, s_pts, neighb_inds, x, kernel_points, weights)
    return _batch_norm_leaky(feat, gamma, beta)

if __name__ == "__main__":
    import jax
    _d = setup_inputs()
    print(jax.jit(kernel)(*tuple(_d.values())))

</pallas_src>

<mosaic_0001>
#map = affine_map<(d0, d1) -> (0, 0, 0)>
#map1 = affine_map<(d0, d1) -> (0, 0)>
#map2 = affine_map<(d0, d1) -> (0)>
module attributes {stable_mosaic.version = 14 : i64} {
  func.func @k(%arg0: i32, %arg1: i32, %arg2: memref<32x125x80xi32, #tpu.memory_space<hbm>>, %arg3: memref<10000x128xf32, #tpu.memory_space<hbm>>, %arg4: memref<10000xf32, #tpu.memory_space<hbm>>, %arg5: memref<10000xf32, #tpu.memory_space<hbm>>, %arg6: memref<10000xf32, #tpu.memory_space<hbm>>, %arg7: memref<320000x128xf32, #tpu.memory_space<hbm>>, %arg8: memref<320000xf32, #tpu.memory_space<hbm>>, %arg9: memref<320000xf32, #tpu.memory_space<hbm>>, %arg10: memref<320000xf32, #tpu.memory_space<hbm>>, %arg11: memref<125x80xi32, #tpu.memory_space<vmem>>, %arg12: memref<400x128xf32, #tpu.memory_space<vmem>>, %arg13: memref<10000xf32, #tpu.memory_space<vmem>>, %arg14: memref<10000xf32, #tpu.memory_space<vmem>>, %arg15: memref<10000xf32, #tpu.memory_space<vmem>>, %arg16: memref<400xf32, #tpu.memory_space<vmem>>, %arg17: memref<400xf32, #tpu.memory_space<vmem>>, %arg18: memref<400xf32, #tpu.memory_space<vmem>>, %arg19: memref<!tpu.dma_semaphore, #tpu.memory_space<semaphore_mem>>) attributes {dimension_semantics = [#tpu.dimension_semantics<core_parallel>, #tpu.dimension_semantics<subcore_parallel>], iteration_bounds = array<i64: 2, 16>, scalar_prefetch = 0 : i64, scratch_operands = 9 : i64, tpu.core_type = #tpu.core_type<sc_vector_subcore>, window_params = [{transform_indices = #map}, {transform_indices = #map1}, {transform_indices = #map2}, {transform_indices = #map2}, {transform_indices = #map2}, {transform_indices = #map1}, {transform_indices = #map2}, {transform_indices = #map2}, {transform_indices = #map2}]} {
    %mul3A = arith.constant 2 : i32
    %mul3A_0 = arith.muli %arg1, %mul3A : i32
    %add3A = arith.addi %mul3A_0, %arg0 : i32
    "tpu.region"() ({
      %run_scoped3A = tpu.sem_alloc : memref<!tpu.dma_semaphore, #tpu.memory_space<semaphore_mem>>
      %dma_start3A = arith.constant 0 : i32
      %dma_start3A_6 = arith.constant 0 : i32
      %dma_start3A_7 = tpu.memref_slice %arg2[%add3A, %dma_start3A, %dma_start3A_6] : memref<32x125x80xi32, #tpu.memory_space<hbm>> -> memref<1x125x80xi32, #tpu.memory_space<hbm>>
      %dma_start3A_8 = tpu.memref_squeeze %dma_start3A_7 : memref<1x125x80xi32, #tpu.memory_space<hbm>> -> memref<125x80xi32, #tpu.memory_space<hbm>>
      %dma_start3A_9 = arith.constant 0 : i32
      %dma_start3A_10 = arith.constant 0 : i32
      %dma_start3A_11 = tpu.memref_slice %arg2[%add3A, %dma_start3A_9, %dma_start3A_10] : memref<32x125x80xi32, #tpu.memory_space<hbm>> -> memref<1x125x80xi32, #tpu.memory_space<hbm>>
      %dma_start3A_12 = tpu.memref_squeeze %dma_start3A_11 : memref<1x125x80xi32, #tpu.memory_space<hbm>> -> memref<125x80xi32, #tpu.memory_space<hbm>>
      tpu.enqueue_dma source(%dma_start3A_12 : memref<125x80xi32, #tpu.memory_space<hbm>>) target(%arg11 : memref<125x80xi32, #tpu.memory_space<vmem>>) target_semaphore(%run_scoped3A : memref<!tpu.dma_semaphore, #tpu.memory_space<semaphore_mem>>)
      %dma_wait3A = arith.constant 0 : i32
      %dma_wait3A_13 = arith.constant 0 : i32
      %dma_wait3A_14 = tpu.memref_slice %arg2[%add3A, %dma_wait3A, %dma_wait3A_13] : memref<32x125x80xi32, #tpu.memory_space<hbm>> -> memref<1x125x80xi32, #tpu.memory_space<hbm>>
      %dma_wait3A_15 = tpu.memref_squeeze %dma_wait3A_14 : memref<1x125x80xi32, #tpu.memory_space<hbm>> -> memref<125x80xi32, #tpu.memory_space<hbm>>
      %dma_wait3A_16 = arith.constant 0 : i32
      %dma_wait3A_17 = arith.constant 0 : i32
      %dma_wait3A_18 = tpu.memref_slice %arg2[%add3A, %dma_wait3A_16, %dma_wait3A_17] : memref<32x125x80xi32, #tpu.memory_space<hbm>> -> memref<1x125x80xi32, #tpu.memory_space<hbm>>
      %dma_wait3A_19 = tpu.memref_squeeze %dma_wait3A_18 : memref<1x125x80xi32, #tpu.memory_space<hbm>> -> memref<125x80xi32, #tpu.memory_space<hbm>>
      tpu.wait_dma2 semaphore(%run_scoped3A : memref<!tpu.dma_semaphore, #tpu.memory_space<semaphore_mem>>) src(%dma_wait3A_19 : memref<125x80xi32, #tpu.memory_space<hbm>>) dst(%arg11 : memref<125x80xi32, #tpu.memory_space<vmem>>)
      tpu.yield
    }) : () -> ()
    "tpu.region"() ({
      %run_scoped3A = tpu.sem_alloc : memref<!tpu.dma_semaphore, #tpu.memory_space<semaphore_mem>>
      tpu.enqueue_dma source(%arg4 : memref<10000xf32, #tpu.memory_space<hbm>>) target(%arg13 : memref<10000xf32, #tpu.memory_space<vmem>>) target_semaphore(%run_scoped3A : memref<!tpu.dma_semaphore, #tpu.memory_space<semaphore_mem>>)
      tpu.wait_dma2 semaphore(%run_scoped3A : memref<!tpu.dma_semaphore, #tpu.memory_space<semaphore_mem>>) src(%arg4 : memref<10000xf32, #tpu.memory_space<hbm>>) dst(%arg13 : memref<10000xf32, #tpu.memory_space<vmem>>)
      tpu.yield
    }) : () -> ()
    "tpu.region"() ({
      %run_scoped3A = tpu.sem_alloc : memref<!tpu.dma_semaphore, #tpu.memory_space<semaphore_mem>>
      tpu.enqueue_dma source(%arg5 : memref<10000xf32, #tpu.memory_space<hbm>>) target(%arg14 : memref<10000xf32, #tpu.memory_space<vmem>>) target_semaphore(%run_scoped3A : memref<!tpu.dma_semaphore, #tpu.memory_space<semaphore_mem>>)
      tpu.wait_dma2 semaphore(%run_scoped3A : memref<!tpu.dma_semaphore, #tpu.memory_space<semaphore_mem>>) src(%arg5 : memref<10000xf32, #tpu.memory_space<hbm>>) dst(%arg14 : memref<10000xf32, #tpu.memory_space<vmem>>)
      tpu.yield
    }) : () -> ()
    "tpu.region"() ({
      %run_scoped3A = tpu.sem_alloc : memref<!tpu.dma_semaphore, #tpu.memory_space<semaphore_mem>>
      tpu.enqueue_dma source(%arg6 : memref<10000xf32, #tpu.memory_space<hbm>>) target(%arg15 : memref<10000xf32, #tpu.memory_space<vmem>>) target_semaphore(%run_scoped3A : memref<!tpu.dma_semaphore, #tpu.memory_space<semaphore_mem>>)
      tpu.wait_dma2 semaphore(%run_scoped3A : memref<!tpu.dma_semaphore, #tpu.memory_space<semaphore_mem>>) src(%arg6 : memref<10000xf32, #tpu.memory_space<hbm>>) dst(%arg15 : memref<10000xf32, #tpu.memory_space<vmem>>)
      tpu.yield
    }) : () -> ()
    %scan3A = arith.constant 0 : i32
    %scan3A_1 = arith.constant 0 : i32
    %scan3A_2 = arith.constant 25 : i32
    %scan3A_3 = arith.addi %scan3A_1, %scan3A_2 : i32
    %scan3A_4 = arith.constant 1 : i32
    scf.for %scan3A_6 = %scan3A_1 to %scan3A_3 step %scan3A_4  : i32 {
      %mul3A_7 = arith.constant 10000 : i32
      %mul3A_8 = arith.muli %add3A, %mul3A_7 : i32
      %mul3A_9 = arith.constant 400 : i32
      %mul3A_10 = arith.muli %scan3A_6, %mul3A_9 : i32
      %add3A_11 = arith.addi %mul3A_8, %mul3A_10 : i32
      %multiple_of3A = tpu.assume_multiple %add3A_11, 8 : i32
      %mul3A_12 = arith.constant 5 : i32
      %mul3A_13 = arith.muli %scan3A_6, %mul3A_12 : i32
      %add3A_14 = arith.constant 0 : i32
      %add3A_15 = arith.addi %mul3A_13, %add3A_14 : i32
      %dma_start3A = arith.constant 0 : i32
      %dma_start3A_16 = arith.constant 0 : i32
      %dma_start3A_17 = tpu.memref_slice %arg12[%dma_start3A, %dma_start3A_16] : memref<400x128xf32, #tpu.memory_space<vmem>> -> memref<80x128xf32, #tpu.memory_space<vmem>>
      %dma_start3A_18 = arith.constant 0 : i32
      %dma_start3A_19 = tpu.memref_slice %arg11[%add3A_15, %dma_start3A_18] : memref<125x80xi32, #tpu.memory_space<vmem>> -> memref<1x80xi32, #tpu.memory_space<vmem>>
      %dma_start3A_20 = tpu.memref_squeeze %dma_start3A_19 : memref<1x80xi32, #tpu.memory_space<vmem>> -> memref<80xi32, #tpu.memory_space<vmem>>
      %dma_start3A_21 = arith.constant 0 : i32
      %dma_start3A_22 = arith.constant 0 : i32
      %dma_start3A_23 = tpu.memref_slice %arg3[%dma_start3A_21, %dma_start3A_22] : memref<10000x128xf32, #tpu.memory_space<hbm>> -> memref<10000x128xf32, #tpu.memory_space<hbm>>
      tpu.enqueue_indirect_dma source(%dma_start3A_23 : memref<10000x128xf32, #tpu.memory_space<hbm>>) target(%dma_start3A_17 : memref<80x128xf32, #tpu.memory_space<vmem>>) offsets(%dma_start3A_20 : memref<80xi32, #tpu.memory_space<vmem>>) semaphore(%arg19 : memref<!tpu.dma_semaphore, #tpu.memory_space<semaphore_mem>>)
      %mul3A_24 = arith.constant 5 : i32
      %mul3A_25 = arith.muli %scan3A_6, %mul3A_24 : i32
      %add3A_26 = arith.constant 1 : i32
      %add3A_27 = arith.addi %mul3A_25, %add3A_26 : i32
      %dma_start3A_28 = arith.constant 80 : i32
      %dma_start3A_29 = arith.constant 0 : i32
      %dma_start3A_30 = tpu.memref_slice %arg12[%dma_start3A_28, %dma_start3A_29] : memref<400x128xf32, #tpu.memory_space<vmem>> -> memref<80x128xf32, #tpu.memory_space<vmem>>
      %dma_start3A_31 = arith.constant 0 : i32
      %dma_start3A_32 = tpu.memref_slice %arg11[%add3A_27, %dma_start3A_31] : memref<125x80xi32, #tpu.memory_space<vmem>> -> memref<1x80xi32, #tpu.memory_space<vmem>>
      %dma_start3A_33 = tpu.memref_squeeze %dma_start3A_32 : memref<1x80xi32, #tpu.memory_space<vmem>> -> memref<80xi32, #tpu.memory_space<vmem>>
      %dma_start3A_34 = arith.constant 0 : i32
      %dma_start3A_35 = arith.constant 0 : i32
      %dma_start3A_36 = tpu.memref_slice %arg3[%dma_start3A_34, %dma_start3A_35] : memref<10000x128xf32, #tpu.memory_space<hbm>> -> memref<10000x128xf32, #tpu.memory_space<hbm>>
      tpu.enqueue_indirect_dma source(%dma_start3A_36 : memref<10000x128xf32, #tpu.memory_space<hbm>>) target(%dma_start3A_30 : memref<80x128xf32, #tpu.memory_space<vmem>>) offsets(%dma_start3A_33 : memref<80xi32, #tpu.memory_space<vmem>>) semaphore(%arg19 : memref<!tpu.dma_semaphore, #tpu.memory_space<semaphore_mem>>)
      %mul3A_37 = arith.constant 5 : i32
      %mul3A_38 = arith.muli %scan3A_6, %mul3A_37 : i32
      %add3A_39 = arith.constant 2 : i32
      %add3A_40 = arith.addi %mul3A_38, %add3A_39 : i32
      %dma_start3A_41 = arith.constant 160 : i32
      %dma_start3A_42 = arith.constant 0 : i32
      %dma_start3A_43 = tpu.memref_slice %arg12[%dma_start3A_41, %dma_start3A_42] : memref<400x128xf32, #tpu.memory_space<vmem>> -> memref<80x128xf32, #tpu.memory_space<vmem>>
      %dma_start3A_44 = arith.constant 0 : i32
      %dma_start3A_45 = tpu.memref_slice %arg11[%add3A_40, %dma_start3A_44] : memref<125x80xi32, #tpu.memory_space<vmem>> -> memref<1x80xi32, #tpu.memory_space<vmem>>
      %dma_start3A_46 = tpu.memref_squeeze %dma_start3A_45 : memref<1x80xi32, #tpu.memory_space<vmem>> -> memref<80xi32, #tpu.memory_space<vmem>>
      %dma_start3A_47 = arith.constant 0 : i32
      %dma_start3A_48 = arith.constant 0 : i32
      %dma_start3A_49 = tpu.memref_slice %arg3[%dma_start3A_47, %dma_start3A_48] : memref<10000x128xf32, #tpu.memory_space<hbm>> -> memref<10000x128xf32, #tpu.memory_space<hbm>>
      tpu.enqueue_indirect_dma source(%dma_start3A_49 : memref<10000x128xf32, #tpu.memory_space<hbm>>) target(%dma_start3A_43 : memref<80x128xf32, #tpu.memory_space<vmem>>) offsets(%dma_start3A_46 : memref<80xi32, #tpu.memory_space<vmem>>) semaphore(%arg19 : memref<!tpu.dma_semaphore, #tpu.memory_space<semaphore_mem>>)
      %mul3A_50 = arith.constant 5 : i32
      %mul3A_51 = arith.muli %scan3A_6, %mul3A_50 : i32
      %add3A_52 = arith.constant 3 : i32
      %add3A_53 = arith.addi %mul3A_51, %add3A_52 : i32
      %dma_start3A_54 = arith.constant 240 : i32
      %dma_start3A_55 = arith.constant 0 : i32
      %dma_start3A_56 = tpu.memref_slice %arg12[%dma_start3A_54, %dma_start3A_55] : memref<400x128xf32, #tpu.memory_space<vmem>> -> memref<80x128xf32, #tpu.memory_space<vmem>>
      %dma_start3A_57 = arith.constant 0 : i32
      %dma_start3A_58 = tpu.memref_slice %arg11[%add3A_53, %dma_start3A_57] : memref<125x80xi32, #tpu.memory_space<vmem>> -> memref<1x80xi32, #tpu.memory_space<vmem>>
      %dma_start3A_59 = tpu.memref_squeeze %dma_start3A_58 : memref<1x80xi32, #tpu.memory_space<vmem>> -> memref<80xi32, #tpu.memory_space<vmem>>
      %dma_start3A_60 = arith.constant 0 : i32
      %dma_start3A_61 = arith.constant 0 : i32
      %dma_start3A_62 = tpu.memref_slice %arg3[%dma_start3A_60, %dma_start3A_61] : memref<10000x128xf32, #tpu.memory_space<hbm>> -> memref<10000x128xf32, #tpu.memory_space<hbm>>
      tpu.enqueue_indirect_dma source(%dma_start3A_62 : memref<10000x128xf32, #tpu.memory_space<hbm>>) target(%dma_start3A_56 : memref<80x128xf32, #tpu.memory_space<vmem>>) offsets(%dma_start3A_59 : memref<80xi32, #tpu.memory_space<vmem>>) semaphore(%arg19 : memref<!tpu.dma_semaphore, #tpu.memory_space<semaphore_mem>>)
      %mul3A_63 = arith.constant 5 : i32
      %mul3A_64 = arith.muli %scan3A_6, %mul3A_63 : i32
      %add3A_65 = arith.constant 4 : i32
      %add3A_66 = arith.addi %mul3A_64, %add3A_65 : i32
      %dma_start3A_67 = arith.constant 320 : i32
      %dma_start3A_68 = arith.constant 0 : i32
      %dma_start3A_69 = tpu.memref_slice %arg12[%dma_start3A_67, %dma_start3A_68] : memref<400x128xf32, #tpu.memory_space<vmem>> -> memref<80x128xf32, #tpu.memory_space<vmem>>
      %dma_start3A_70 = arith.constant 0 : i32
      %dma_start3A_71 = tpu.memref_slice %arg11[%add3A_66, %dma_start3A_70] : memref<125x80xi32, #tpu.memory_space<vmem>> -> memref<1x80xi32, #tpu.memory_space<vmem>>
      %dma_start3A_72 = tpu.memref_squeeze %dma_start3A_71 : memref<1x80xi32, #tpu.memory_space<vmem>> -> memref<80xi32, #tpu.memory_space<vmem>>
      %dma_start3A_73 = arith.constant 0 : i32
      %dma_start3A_74 = arith.constant 0 : i32
      %dma_start3A_75 = tpu.memref_slice %arg3[%dma_start3A_73, %dma_start3A_74] : memref<10000x128xf32, #tpu.memory_space<hbm>> -> memref<10000x128xf32, #tpu.memory_space<hbm>>
      tpu.enqueue_indirect_dma source(%dma_start3A_75 : memref<10000x128xf32, #tpu.memory_space<hbm>>) target(%dma_start3A_69 : memref<80x128xf32, #tpu.memory_space<vmem>>) offsets(%dma_start3A_72 : memref<80xi32, #tpu.memory_space<vmem>>) semaphore(%arg19 : memref<!tpu.dma_semaphore, #tpu.memory_space<semaphore_mem>>)
      %mul3A_76 = arith.constant 5 : i32
      %mul3A_77 = arith.muli %scan3A_6, %mul3A_76 : i32
      %add3A_78 = arith.constant 0 : i32
      %add3A_79 = arith.addi %mul3A_77, %add3A_78 : i32
      %get3A = arith.index_cast %add3A_79 : i32 to index
      %get3A_80 = arith.constant 0 : index
      %get3A_81 = tpu.vector_load %arg11[%get3A, %get3A_80] {strides = array<i32>} : memref<125x80xi32, #tpu.memory_space<vmem>>, vector<16xi32>,
      %gather3A = tpu.vector_load_idx %arg13[%get3A_81] : memref<10000xf32, #tpu.memory_space<vmem>>[vector<16xi32>], vector<16xf32>,
      %swap3A = arith.constant 0 : index
      %swap3A_82 = tpu.vector_load %arg16[%swap3A] {strides = array<i32>} : memref<400xf32, #tpu.memory_space<vmem>>, vector<16xf32>,
      tpu.vector_store %arg16[%swap3A], %gather3A {strides = array<i32>} : memref<400xf32, #tpu.memory_space<vmem>>, vector<16xf32>,
      %gather3A_83 = tpu.vector_load_idx %arg14[%get3A_81] : memref<10000xf32, #tpu.memory_space<vmem>>[vector<16xi32>], vector<16xf32>,
      %swap3A_84 = arith.constant 0 : index
      %swap3A_85 = tpu.vector_load %arg17[%swap3A_84] {strides = array<i32>} : memref<400xf32, #tpu.memory_space<vmem>>, vector<16xf32>,
      tpu.vector_store %arg17[%swap3A_84], %gather3A_83 {strides = array<i32>} : memref<400xf32, #tpu.memory_space<vmem>>, vector<16xf32>,
      %gather3A_86 = tpu.vector_load_idx %arg15[%get3A_81] : memref<10000xf32, #tpu.memory_space<vmem>>[vector<16xi32>], vector<16xf32>,
      %swap3A_87 = arith.constant 0 : index
      %swap3A_88 = tpu.vector_load %arg18[%swap3A_87] {strides = array<i32>} : memref<400xf32, #tpu.memory_space<vmem>>, vector<16xf32>,
      tpu.vector_store %arg18[%swap3A_87], %gather3A_86 {strides = array<i32>} : memref<400xf32, #tpu.memory_space<vmem>>, vector<16xf32>,
      %mul3A_89 = arith.constant 5 : i32
      %mul3A_90 = arith.muli %scan3A_6, %mul3A_89 : i32
      %add3A_91 = arith.constant 0 : i32
      %add3A_92 = arith.addi %mul3A_90, %add3A_91 : i32
      %get3A_93 = arith.index_cast %add3A_92 : i32 to index
      %get3A_94 = arith.constant 16 : index
      %get3A_95 = tpu.vector_load %arg11[%get3A_93, %get3A_94] {strides = array<i32>} : memref<125x80xi32, #tpu.memory_space<vmem>>, vector<16xi32>,
      %gather3A_96 = tpu.vector_load_idx %arg13[%get3A_95] : memref<10000xf32, #tpu.memory_space<vmem>>[vector<16xi32>], vector<16xf32>,
      %swap3A_97 = arith.constant 16 : index
      %swap3A_98 = tpu.vector_load %arg16[%swap3A_97] {strides = array<i32>} : memref<400xf32, #tpu.memory_space<vmem>>, vector<16xf32>,
      tpu.vector_store %arg16[%swap3A_97], %gather3A_96 {strides = array<i32>} : memref<400xf32, #tpu.memory_space<vmem>>, vector<16xf32>,
      %gather3A_99 = tpu.vector_load_idx %arg14[%get3A_95] : memref<10000xf32, #tpu.memory_space<vmem>>[vector<16xi32>], vector<16xf32>,
      %swap3A_100 = arith.constant 16 : index
      %swap3A_101 = tpu.vector_load %arg17[%swap3A_100] {strides = array<i32>} : memref<400xf32, #tpu.memory_space<vmem>>, vector<16xf32>,
      tpu.vector_store %arg17[%swap3A_100], %gather3A_99 {strides = array<i32>} : memref<400xf32, #tpu.memory_space<vmem>>, vector<16xf32>,
      %gather3A_102 = tpu.vector_load_idx %arg15[%get3A_95] : memref<10000xf32, #tpu.memory_space<vmem>>[vector<16xi32>], vector<16xf32>,
      %swap3A_103 = arith.constant 16 : index
      %swap3A_104 = tpu.vector_load %arg18[%swap3A_103] {strides = array<i32>} : memref<400xf32, #tpu.memory_space<vmem>>, vector<16xf32>,
      tpu.vector_store %arg18[%swap3A_103], %gather3A_102 {strides = array<i32>} : memref<400xf32, #tpu.memory_space<vmem>>, vector<16xf32>,
      %mul3A_105 = arith.constant 5 : i32
      %mul3A_106 = arith.muli %scan3A_6, %mul3A_105 : i32
      %add3A_107 = arith.constant 0 : i32
      %add3A_108 = arith.addi %mul3A_106, %add3A_107 : i32
      %get3A_109 = arith.index_cast %add3A_108 : i32 to index
      %get3A_110 = arith.constant 32 : index
      %get3A_111 = tpu.vector_load %arg11[%get3A_109, %get3A_110] {strides = array<i32>} : memref<125x80xi32, #tpu.memory_space<vmem>>, vector<16xi32>,
      %gather3A_112 = tpu.vector_load_idx %arg13[%get3A_111] : memref<10000xf32, #tpu.memory_space<vmem>>[vector<16xi32>], vector<16xf32>,
      %swap3A_113 = arith.constant 32 : index
      %swap3A_114 = tpu.vector_load %arg16[%swap3A_113] {strides = array<i32>} : memref<400xf32, #tpu.memory_space<vmem>>, vector<16xf32>,
      tpu.vector_store %arg16[%swap3A_113], %gather3A_112 {strides = array<i32>} : memref<400xf32, #tpu.memory_space<vmem>>, vector<16xf32>,
      %gather3A_115 = tpu.vector_load_idx %arg14[%get3A_111] : memref<10000xf32, #tpu.memory_space<vmem>>[vector<16xi32>], vector<16xf32>,
      %swap3A_116 = arith.constant 32 : index
      %swap3A_117 = tpu.vector_load %arg17[%swap3A_116] {strides = array<i32>} : memref<400xf32, #tpu.memory_space<vmem>>, vector<16xf32>,
      tpu.vector_store %arg17[%swap3A_116], %gather3A_115 {strides = array<i32>} : memref<400xf32, #tpu.memory_space<vmem>>, vector<16xf32>,
      %gather3A_118 = tpu.vector_load_idx %arg15[%get3A_111] : memref<10000xf32, #tpu.memory_space<vmem>>[vector<16xi32>], vector<16xf32>,
      %swap3A_119 = arith.constant 32 : index
      %swap3A_120 = tpu.vector_load %arg18[%swap3A_119] {strides = array<i32>} : memref<400xf32, #tpu.memory_space<vmem>>, vector<16xf32>,
      tpu.vector_store %arg18[%swap3A_119], %gather3A_118 {strides = array<i32>} : memref<400xf32, #tpu.memory_space<vmem>>, vector<16xf32>,
      %mul3A_121 = arith.constant 5 : i32
      %mul3A_122 = arith.muli %scan3A_6, %mul3A_121 : i32
      %add3A_123 = arith.constant 0 : i32
      %add3A_124 = arith.addi %mul3A_122, %add3A_123 : i32
      %get3A_125 = arith.index_cast %add3A_124 : i32 to index
      %get3A_126 = arith.constant 48 : index
      %get3A_127 = tpu.vector_load %arg11[%get3A_125, %get3A_126] {strides = array<i32>} : memref<125x80xi32, #tpu.memory_space<vmem>>, vector<16xi32>,
      %gather3A_128 = tpu.vector_load_idx %arg13[%get3A_127] : memref<10000xf32, #tpu.memory_space<vmem>>[vector<16xi32>], vector<16xf32>,
      %swap3A_129 = arith.constant 48 : index
      %swap3A_130 = tpu.vector_load %arg16[%swap3A_129] {strides = array<i32>} : memref<400xf32, #tpu.memory_space<vmem>>, vector<16xf32>,
      tpu.vector_store %arg16[%swap3A_129], %gather3A_128 {strides = array<i32>} : memref<400xf32, #tpu.memory_space<vmem>>, vector<16xf32>,
      %gather3A_131 = tpu.vector_load_idx %arg14[%get3A_127] : memref<10000xf32, #tpu.memory_space<vmem>>[vector<16xi32>], vector<16xf32>,
      %swap3A_132 = arith.constant 48 : index
      %swap3A_133 = tpu.vector_load %arg17[%swap3A_132] {strides = array<i32>} : memref<400xf32, #tpu.memory_space<vmem>>, vector<16xf32>,
      tpu.vector_store %arg17[%swap3A_132], %gather3A_131 {strides = array<i32>} : memref<400xf32, #tpu.memory_space<vmem>>, vector<16xf32>,
      %gather3A_134 = tpu.vector_load_idx %arg15[%get3A_127] : memref<10000xf32, #tpu.memory_space<vmem>>[vector<16xi32>], vector<16xf32>,
      %swap3A_135 = arith.constant 48 : index
      %swap3A_136 = tpu.vector_load %arg18[%swap3A_135] {strides = array<i32>} : memref<400xf32, #tpu.memory_space<vmem>>, vector<16xf32>,
      tpu.vector_store %arg18[%swap3A_135], %gather3A_134 {strides = array<i32>} : memref<400xf32, #tpu.memory_space<vmem>>, vector<16xf32>,
      %mul3A_137 = arith.constant 5 : i32
      %mul3A_138 = arith.muli %scan3A_6, %mul3A_137 : i32
      %add3A_139 = arith.constant 0 : i32
      %add3A_140 = arith.addi %mul3A_138, %add3A_139 : i32
      %get3A_141 = arith.index_cast %add3A_140 : i32 to index
      %get3A_142 = arith.constant 64 : index
      %get3A_143 = tpu.vector_load %arg11[%get3A_141, %get3A_142] {strides = array<i32>} : memref<125x80xi32, #tpu.memory_space<vmem>>, vector<16xi32>,
      %gather3A_144 = tpu.vector_load_idx %arg13[%get3A_143] : memref<10000xf32, #tpu.memory_space<vmem>>[vector<16xi32>], vector<16xf32>,
      %swap3A_145 = arith.constant 64 : index
      %swap3A_146 = tpu.vector_load %arg16[%swap3A_145] {strides = array<i32>} : memref<400xf32, #tpu.memory_space<vmem>>, vector<16xf32>,
      tpu.vector_store %arg16[%swap3A_145], %gather3A_144 {strides = array<i32>} : memref<400xf32, #tpu.memory_space<vmem>>, vector<16xf32>,
      %gather3A_147 = tpu.vector_load_idx %arg14[%get3A_143] : memref<10000xf32, #tpu.memory_space<vmem>>[vector<16xi32>], vector<16xf32>,
      %swap3A_148 = arith.constant 64 : index
      %swap3A_149 = tpu.vector_load %arg17[%swap3A_148] {strides = array<i32>} : memref<400xf32, #tpu.memory_space<vmem>>, vector<16xf32>,
      tpu.vector_store %arg17[%swap3A_148], %gather3A_147 {strides = array<i32>} : memref<400xf32, #tpu.memory_space<vmem>>, vector<16xf32>,
      %gather3A_150 = tpu.vector_load_idx %arg15[%get3A_143] : memref<10000xf32, #tpu.memory_space<vmem>>[vector<16xi32>], vector<16xf32>,
      %swap3A_151 = arith.constant 64 : index
      %swap3A_152 = tpu.vector_load %arg18[%swap3A_151] {strides = array<i32>} : memref<400xf32, #tpu.memory_space<vmem>>, vector<16xf32>,
      tpu.vector_store %arg18[%swap3A_151], %gather3A_150 {strides = array<i32>} : memref<400xf32, #tpu.memory_space<vmem>>, vector<16xf32>,
      %mul3A_153 = arith.constant 5 : i32
      %mul3A_154 = arith.muli %scan3A_6, %mul3A_153 : i32
      %add3A_155 = arith.constant 1 : i32
      %add3A_156 = arith.addi %mul3A_154, %add3A_155 : i32
      %get3A_157 = arith.index_cast %add3A_156 : i32 to index
      %get3A_158 = arith.constant 0 : index
      %get3A_159 = tpu.vector_load %arg11[%get3A_157, %get3A_158] {strides = array<i32>} : memref<125x80xi32, #tpu.memory_space<vmem>>, vector<16xi32>,
      %gather3A_160 = tpu.vector_load_idx %arg13[%get3A_159] : memref<10000xf32, #tpu.memory_space<vmem>>[vector<16xi32>], vector<16xf32>,
      %swap3A_161 = arith.constant 80 : index
      %swap3A_162 = tpu.vector_load %arg16[%swap3A_161] {strides = array<i32>} : memref<400xf32, #tpu.memory_space<vmem>>, vector<16xf32>,
      tpu.vector_store %arg16[%swap3A_161], %gather3A_160 {strides = array<i32>} : memref<400xf32, #tpu.memory_space<vmem>>, vector<16xf32>,
      %gather3A_163 = tpu.vector_load_idx %arg14[%get3A_159] : memref<10000xf32, #tpu.memory_space<vmem>>[vector<16xi32>], vector<16xf32>,
      %swap3A_164 = arith.constant 80 : index
      %swap3A_165 = tpu.vector_load %arg17[%swap3A_164] {strides = array<i32>} : memref<400xf32, #tpu.memory_space<vmem>>, vector<16xf32>,
      tpu.vector_store %arg17[%swap3A_164], %gather3A_163 {strides = array<i32>} : memref<400xf32, #tpu.memory_space<vmem>>, vector<16xf32>,
      %gather3A_166 = tpu.vector_load_idx %arg15[%get3A_159] : memref<10000xf32, #tpu.memory_space<vmem>>[vector<16xi32>], vector<16xf32>,
      %swap3A_167 = arith.constant 80 : index
      %swap3A_168 = tpu.vector_load %arg18[%swap3A_167] {strides = array<i32>} : memref<400xf32, #tpu.memory_space<vmem>>, vector<16xf32>,
      tpu.vector_store %arg18[%swap3A_167], %gather3A_166 {strides = array<i32>} : memref<400xf32, #tpu.memory_space<vmem>>, vector<16xf32>,
      %mul3A_169 = arith.constant 5 : i32
      %mul3A_170 = arith.muli %scan3A_6, %mul3A_169 : i32
      %add3A_171 = arith.constant 1 : i32
      %add3A_172 = arith.addi %mul3A_170, %add3A_171 : i32
      %get3A_173 = arith.index_cast %add3A_172 : i32 to index
      %get3A_174 = arith.constant 16 : index
      %get3A_175 = tpu.vector_load %arg11[%get3A_173, %get3A_174] {strides = array<i32>} : memref<125x80xi32, #tpu.memory_space<vmem>>, vector<16xi32>,
      %gather3A_176 = tpu.vector_load_idx %arg13[%get3A_175] : memref<10000xf32, #tpu.memory_space<vmem>>[vector<16xi32>], vector<16xf32>,
      %swap3A_177 = arith.constant 96 : index
      %swap3A_178 = tpu.vector_load %arg16[%swap3A_177] {strides = array<i32>} : memref<400xf32, #tpu.memory_space<vmem>>, vector<16xf32>,
      tpu.vector_store %arg16[%swap3A_177], %gather3A_176 {strides = array<i32>} : memref<400xf32, #tpu.memory_space<vmem>>, vector<16xf32>,
      %gather3A_179 = tpu.vector_load_idx %arg14[%get3A_175] : memref<10000xf32, #tpu.memory_space<vmem>>[vector<16xi32>], vector<16xf32>,
      %swap3A_180 = arith.constant 96 : index
      %swap3A_181 = tpu.vector_load %arg17[%swap3A_180] {strides = array<i32>} : memref<400xf32, #tpu.memory_space<vmem>>, vector<16xf32>,
      tpu.vector_store %arg17[%swap3A_180], %gather3A_179 {strides = array<i32>} : memref<400xf32, #tpu.memory_space<vmem>>, vector<16xf32>,
      %gather3A_182 = tpu.vector_load_idx %arg15[%get3A_175] : memref<10000xf32, #tpu.memory_space<vmem>>[vector<16xi32>], vector<16xf32>,
      %swap3A_183 = arith.constant 96 : index
      %swap3A_184 = tpu.vector_load %arg18[%swap3A_183] {strides = array<i32>} : memref<400xf32, #tpu.memory_space<vmem>>, vector<16xf32>,
      tpu.vector_store %arg18[%swap3A_183], %gather3A_182 {strides = array<i32>} : memref<400xf32, #tpu.memory_space<vmem>>, vector<16xf32>,
      %mul3A_185 = arith.constant 5 : i32
      %mul3A_186 = arith.muli %scan3A_6, %mul3A_185 : i32
      %add3A_187 = arith.constant 1 : i32
      %add3A_188 = arith.addi %mul3A_186, %add3A_187 : i32
      %get3A_189 = arith.index_cast %add3A_188 : i32 to index
      %get3A_190 = arith.constant 32 : index
      %get3A_191 = tpu.vector_load %arg11[%get3A_189, %get3A_190] {strides = array<i32>} : memref<125x80xi32, #tpu.memory_space<vmem>>, vector<16xi32>,
      %gather3A_192 = tpu.vector_load_idx %arg13[%get3A_191] : memref<10000xf32, #tpu.memory_space<vmem>>[vector<16xi32>], vector<16xf32>,
      %swap3A_193 = arith.constant 112 : index
      %swap3A_194 = tpu.vector_load %arg16[%swap3A_193] {strides = array<i32>} : memref<400xf32, #tpu.memory_space<vmem>>, vector<16xf32>,
      tpu.vector_store %arg16[%swap3A_193], %gather3A_192 {strides = array<i32>} : memref<400xf32, #tpu.memory_space<vmem>>, vector<16xf32>,
      %gather3A_195 = tpu.vector_load_idx %arg14[%get3A_191] : memref<10000xf32, #tpu.memory_space<vmem>>[vector<16xi32>], vector<16xf32>,
      %swap3A_196 = arith.constant 112 : index
      %swap3A_197 = tpu.vector_load %arg17[%swap3A_196] {strides = array<i32>} : memref<400xf32, #tpu.memory_space<vmem>>, vector<16xf32>,
      tpu.vector_store %arg17[%swap3A_196], %gather3A_195 {strides = array<i32>} : memref<400xf32, #tpu.memory_space<vmem>>, vector<16xf32>,
      %gather3A_198 = tpu.vector_load_idx %arg15[%get3A_191] : memref<10000xf32, #tpu.memory_space<vmem>>[vector<16xi32>], vector<16xf32>,
      %swap3A_199 = arith.constant 112 : index
      %swap3A_200 = tpu.vector_load %arg18[%swap3A_199] {strides = array<i32>} : memref<400xf32, #tpu.memory_space<vmem>>, vector<16xf32>,
      tpu.vector_store %arg18[%swap3A_199], %gather3A_198 {strides = array<i32>} : memref<400xf32, #tpu.memory_space<vmem>>, vector<16xf32>,
      %mul3A_201 = arith.constant 5 : i32
      %mul3A_202 = arith.muli %scan3A_6, %mul3A_201 : i32
      %add3A_203 = arith.constant 1 : i32
      %add3A_204 = arith.addi %mul3A_202, %add3A_203 : i32
      %get3A_205 = arith.index_cast %add3A_204 : i32 to index
      %get3A_206 = arith.constant 48 : index
      %get3A_207 = tpu.vector_load %arg11[%get3A_205, %get3A_206] {strides = array<i32>} : memref<125x80xi32, #tpu.memory_space<vmem>>, vector<16xi32>,
      %gather3A_208 = tpu.vector_load_idx %arg13[%get3A_207] : memref<10000xf32, #tpu.memory_space<vmem>>[vector<16xi32>], vector<16xf32>,
      %swap3A_209 = arith.constant 128 : index
      %swap3A_210 = tpu.vector_load %arg16[%swap3A_209] {strides = array<i32>} : memref<400xf32, #tpu.memory_space<vmem>>, vector<16xf32>,
      tpu.vector_store %arg16[%swap3A_209], %gather3A_208 {strides = array<i32>} : memref<400xf32, #tpu.memory_space<vmem>>, vector<16xf32>,
      %gather3A_211 = tpu.vector_load_idx %arg14[%get3A_207] : memref<10000xf32, #tpu.memory_space<vmem>>[vector<16xi32>], vector<16xf32>,
      %swap3A_212 = arith.constant 128 : index
      %swap3A_213 = tpu.vector_load %arg17[%swap3A_212] {strides = array<i32>} : memref<400xf32, #tpu.memory_space<vmem>>, vector<16xf32>,
      tpu.vector_store %arg17[%swap3A_212], %gather3A_211 {strides = array<i32>} : memref<400xf32, #tpu.memory_space<vmem>>, vector<16xf32>,
      %gather3A_214 = tpu.vector_load_idx %arg15[%get3A_207] : memref<10000xf32, #tpu.memory_space<vmem>>[vector<16xi32>], vector<16xf32>,
      %swap3A_215 = arith.constant 128 : index
      %swap3A_216 = tpu.vector_load %arg18[%swap3A_215] {strides = array<i32>} : memref<400xf32, #tpu.memory_space<vmem>>, vector<16xf32>,
      tpu.vector_store %arg18[%swap3A_215], %gather3A_214 {strides = array<i32>} : memref<400xf32, #tpu.memory_space<vmem>>, vector<16xf32>,
      %mul3A_217 = arith.constant 5 : i32
      %mul3A_218 = arith.muli %scan3A_6, %mul3A_217 : i32
      %add3A_219 = arith.constant 1 : i32
      %add3A_220 = arith.addi %mul3A_218, %add3A_219 : i32
      %get3A_221 = arith.index_cast %add3A_220 : i32 to index
      %get3A_222 = arith.constant 64 : index
      %get3A_223 = tpu.vector_load %arg11[%get3A_221, %get3A_222] {strides = array<i32>} : memref<125x80xi32, #tpu.memory_space<vmem>>, vector<16xi32>,
      %gather3A_224 = tpu.vector_load_idx %arg13[%get3A_223] : memref<10000xf32, #tpu.memory_space<vmem>>[vector<16xi32>], vector<16xf32>,
      %swap3A_225 = arith.constant 144 : index
      %swap3A_226 = tpu.vector_load %arg16[%swap3A_225] {strides = array<i32>} : memref<400xf32, #tpu.memory_space<vmem>>, vector<16xf32>,
      tpu.vector_store %arg16[%swap3A_225], %gather3A_224 {strides = array<i32>} : memref<400xf32, #tpu.memory_space<vmem>>, vector<16xf32>,
      %gather3A_227 = tpu.vector_load_idx %arg14[%get3A_223] : memref<10000xf32, #tpu.memory_space<vmem>>[vector<16xi32>], vector<16xf32>,
      %swap3A_228 = arith.constant 144 : index
      %swap3A_229 = tpu.vector_load %arg17[%swap3A_228] {strides = array<i32>} : memref<400xf32, #tpu.memory_space<vmem>>, vector<16xf32>,
      tpu.vector_store %arg17[%swap3A_228], %gather3A_227 {strides = array<i32>} : memref<400xf32, #tpu.memory_space<vmem>>, vector<16xf32>,
      %gather3A_230 = tpu.vector_load_idx %arg15[%get3A_223] : memref<10000xf32, #tpu.memory_space<vmem>>[vector<16xi32>], vector<16xf32>,
      %swap3A_231 = arith.constant 144 : index
      %swap3A_232 = tpu.vector_load %arg18[%swap3A_231] {strides = array<i32>} : memref<400xf32, #tpu.memory_space<vmem>>, vector<16xf32>,
      tpu.vector_store %arg18[%swap3A_231], %gather3A_230 {strides = array<i32>} : memref<400xf32, #tpu.memory_space<vmem>>, vector<16xf32>,
      %mul3A_233 = arith.constant 5 : i32
      %mul3A_234 = arith.muli %scan3A_6, %mul3A_233 : i32
      %add3A_235 = arith.constant 2 : i32
      %add3A_236 = arith.addi %mul3A_234, %add3A_235 : i32
      %get3A_237 = arith.index_cast %add3A_236 : i32 to index
      %get3A_238 = arith.constant 0 : index
      %get3A_239 = tpu.vector_load %arg11[%get3A_237, %get3A_238] {strides = array<i32>} : memref<125x80xi32, #tpu.memory_space<vmem>>, vector<16xi32>,
      %gather3A_240 = tpu.vector_load_idx %arg13[%get3A_239] : memref<10000xf32, #tpu.memory_space<vmem>>[vector<16xi32>], vector<16xf32>,
      %swap3A_241 = arith.constant 160 : index
      %swap3A_242 = tpu.vector_load %arg16[%swap3A_241] {strides = array<i32>} : memref<400xf32, #tpu.memory_space<vmem>>, vector<16xf32>,
      tpu.vector_store %arg16[%swap3A_241], %gather3A_240 {strides = array<i32>} : memref<400xf32, #tpu.memory_space<vmem>>, vector<16xf32>,
      %gather3A_243 = tpu.vector_load_idx %arg14[%get3A_239] : memref<10000xf32, #tpu.memory_space<vmem>>[vector<16xi32>], vector<16xf32>,
      %swap3A_244 = arith.constant 160 : index
      %swap3A_245 = tpu.vector_load %arg17[%swap3A_244] {strides = array<i32>} : memref<400xf32, #tpu.memory_space<vmem>>, vector<16xf32>,
      tpu.vector_store %arg17[%swap3A_244], %gather3A_243 {strides = array<i32>} : memref<400xf32, #tpu.memory_space<vmem>>, vector<16xf32>,
      %gather3A_246 = tpu.vector_load_idx %arg15[%get3A_239] : memref<10000xf32, #tpu.memory_space<vmem>>[vector<16xi32>], vector<16xf32>,
      %swap3A_247 = arith.constant 160 : index
      %swap3A_248 = tpu.vector_load %arg18[%swap3A_247] {strides = array<i32>} : memref<400xf32, #tpu.memory_space<vmem>>, vector<16xf32>,
      tpu.vector_store %arg18[%swap3A_247], %gather3A_246 {strides = array<i32>} : memref<400xf32, #tpu.memory_space<vmem>>, vector<16xf32>,
      %mul3A_249 = arith.constant 5 : i32
      %mul3A_250 = arith.muli %scan3A_6, %mul3A_249 : i32
      %add3A_251 = arith.constant 2 : i32
      %add3A_252 = arith.addi %mul3A_250, %add3A_251 : i32
      %get3A_253 = arith.index_cast %add3A_252 : i32 to index
      %get3A_254 = arith.constant 16 : index
      %get3A_255 = tpu.vector_load %arg11[%get3A_253, %get3A_254] {strides = array<i32>} : memref<125x80xi32, #tpu.memory_space<vmem>>, vector<16xi32>,
      %gather3A_256 = tpu.vector_load_idx %arg13[%get3A_255] : memref<10000xf32, #tpu.memory_space<vmem>>[vector<16xi32>], vector<16xf32>,
      %swap3A_257 = arith.constant 176 : index
      %swap3A_258 = tpu.vector_load %arg16[%swap3A_257] {strides = array<i32>} : memref<400xf32, #tpu.memory_space<vmem>>, vector<16xf32>,
      tpu.vector_store %arg16[%swap3A_257], %gather3A_256 {strides = array<i32>} : memref<400xf32, #tpu.memory_space<vmem>>, vector<16xf32>,
      %gather3A_259 = tpu.vector_load_idx %arg14[%get3A_255] : memref<10000xf32, #tpu.memory_space<vmem>>[vector<16xi32>], vector<16xf32>,
      %swap3A_260 = arith.constant 176 : index
      %swap3A_261 = tpu.vector_load %arg17[%swap3A_260] {strides = array<i32>} : memref<400xf32, #tpu.memory_space<vmem>>, vector<16xf32>,
      tpu.vector_store %arg17[%swap3A_260], %gather3A_259 {strides = array<i32>} : memref<400xf32, #tpu.memory_space<vmem>>, vector<16xf32>,
      %gather3A_262 = tpu.vector_load_idx %arg15[%get3A_255] : memref<10000xf32, #tpu.memory_space<vmem>>[vector<16xi32>], vector<16xf32>,
      %swap3A_263 = arith.constant 176 : index
      %swap3A_264 = tpu.vector_load %arg18[%swap3A_263] {strides = array<i32>} : memref<400xf32, #tpu.memory_space<vmem>>, vector<16xf32>,
      tpu.vector_store %arg18[%swap3A_263], %gather3A_262 {strides = array<i32>} : memref<400xf32, #tpu.memory_space<vmem>>, vector<16xf32>,
      %mul3A_265 = arith.constant 5 : i32
      %mul3A_266 = arith.muli %scan3A_6, %mul3A_265 : i32
      %add3A_267 = arith.constant 2 : i32
      %add3A_268 = arith.addi %mul3A_266, %add3A_267 : i32
      %get3A_269 = arith.index_cast %add3A_268 : i32 to index
      %get3A_270 = arith.constant 32 : index
      %get3A_271 = tpu.vector_load %arg11[%get3A_269, %get3A_270] {strides = array<i32>} : memref<125x80xi32, #tpu.memory_space<vmem>>, vector<16xi32>,
      %gather3A_272 = tpu.vector_load_idx %arg13[%get3A_271] : memref<10000xf32, #tpu.memory_space<vmem>>[vector<16xi32>], vector<16xf32>,
      %swap3A_273 = arith.constant 192 : index
      %swap3A_274 = tpu.vector_load %arg16[%swap3A_273] {strides = array<i32>} : memref<400xf32, #tpu.memory_space<vmem>>, vector<16xf32>,
      tpu.vector_store %arg16[%swap3A_273], %gather3A_272 {strides = array<i32>} : memref<400xf32, #tpu.memory_space<vmem>>, vector<16xf32>,
      %gather3A_275 = tpu.vector_load_idx %arg14[%get3A_271] : memref<10000xf32, #tpu.memory_space<vmem>>[vector<16xi32>], vector<16xf32>,
      %swap3A_276 = arith.constant 192 : index
      %swap3A_277 = tpu.vector_load %arg17[%swap3A_276] {strides = array<i32>} : memref<400xf32, #tpu.memory_space<vmem>>, vector<16xf32>,
      tpu.vector_store %arg17[%swap3A_276], %gather3A_275 {strides = array<i32>} : memref<400xf32, #tpu.memory_space<vmem>>, vector<16xf32>,
      %gather3A_278 = tpu.vector_load_idx %arg15[%get3A_271] : memref<10000xf32, #tpu.memory_space<vmem>>[vector<16xi32>], vector<16xf32>,
      %swap3A_279 = arith.constant 192 : index
      %swap3A_280 = tpu.vector_load %arg18[%swap3A_279] {strides = array<i32>} : memref<400xf32, #tpu.memory_space<vmem>>, vector<16xf32>,
      tpu.vector_store %arg18[%swap3A_279], %gather3A_278 {strides = array<i32>} : memref<400xf32, #tpu.memory_space<vmem>>, vector<16xf32>,
      %mul3A_281 = arith.constant 5 : i32
      %mul3A_282 = arith.muli %scan3A_6, %mul3A_281 : i32
      %add3A_283 = arith.constant 2 : i32
      %add3A_284 = arith.addi %mul3A_282, %add3A_283 : i32
      %get3A_285 = arith.index_cast %add3A_284 : i32 to index
      %get3A_286 = arith.constant 48 : index
      %get3A_287 = tpu.vector_load %arg11[%get3A_285, %get3A_286] {strides = array<i32>} : memref<125x80xi32, #tpu.memory_space<vmem>>, vector<16xi32>,
      %gather3A_288 = tpu.vector_load_idx %arg13[%get3A_287] : memref<10000xf32, #tpu.memory_space<vmem>>[vector<16xi32>], vector<16xf32>,
      %swap3A_289 = arith.constant 208 : index
      %swap3A_290 = tpu.vector_load %arg16[%swap3A_289] {strides = array<i32>} : memref<400xf32, #tpu.memory_space<vmem>>, vector<16xf32>,
      tpu.vector_store %arg16[%swap3A_289], %gather3A_288 {strides = array<i32>} : memref<400xf32, #tpu.memory_space<vmem>>, vector<16xf32>,
      %gather3A_291 = tpu.vector_load_idx %arg14[%get3A_287] : memref<10000xf32, #tpu.memory_space<vmem>>[vector<16xi32>], vector<16xf32>,
      %swap3A_292 = arith.constant 208 : index
      %swap3A_293 = tpu.vector_load %arg17[%swap3A_292] {strides = array<i32>} : memref<400xf32, #tpu.memory_space<vmem>>, vector<16xf32>,
      tpu.vector_store %arg17[%swap3A_292], %gather3A_291 {strides = array<i32>} : memref<400xf32, #tpu.memory_space<vmem>>, vector<16xf32>,
      %gather3A_294 = tpu.vector_load_idx %arg15[%get3A_287] : memref<10000xf32, #tpu.memory_space<vmem>>[vector<16xi32>], vector<16xf32>,
      %swap3A_295 = arith.constant 208 : index
      %swap3A_296 = tpu.vector_load %arg18[%swap3A_295] {strides = array<i32>} : memref<400xf32, #tpu.memory_space<vmem>>, vector<16xf32>,
      tpu.vector_store %arg18[%swap3A_295], %gather3A_294 {strides = array<i32>} : memref<400xf32, #tpu.memory_space<vmem>>, vector<16xf32>,
      %mul3A_297 = arith.constant 5 : i32
      %mul3A_298 = arith.muli %scan3A_6, %mul3A_297 : i32
      %add3A_299 = arith.constant 2 : i32
      %add3A_300 = arith.addi %mul3A_298, %add3A_299 : i32
      %get3A_301 = arith.index_cast %add3A_300 : i32 to index
      %get3A_302 = arith.constant 64 : index
      %get3A_303 = tpu.vector_load %arg11[%get3A_301, %get3A_302] {strides = array<i32>} : memref<125x80xi32, #tpu.memory_space<vmem>>, vector<16xi32>,
      %gather3A_304 = tpu.vector_load_idx %arg13[%get3A_303] : memref<10000xf32, #tpu.memory_space<vmem>>[vector<16xi32>], vector<16xf32>,
      %swap3A_305 = arith.constant 224 : index
      %swap3A_306 = tpu.vector_load %arg16[%swap3A_305] {strides = array<i32>} : memref<400xf32, #tpu.memory_space<vmem>>, vector<16xf32>,
      tpu.vector_store %arg16[%swap3A_305], %gather3A_304 {strides = array<i32>} : memref<400xf32, #tpu.memory_space<vmem>>, vector<16xf32>,
      %gather3A_307 = tpu.vector_load_idx %arg14[%get3A_303] : memref<10000xf32, #tpu.memory_space<vmem>>[vector<16xi32>], vector<16xf32>,
      %swap3A_308 = arith.constant 224 : index
      %swap3A_309 = tpu.vector_load %arg17[%swap3A_308] {strides = array<i32>} : memref<400xf32, #tpu.memory_space<vmem>>, vector<16xf32>,
      tpu.vector_store %arg17[%swap3A_308], %gather3A_307 {strides = array<i32>} : memref<400xf32, #tpu.memory_space<vmem>>, vector<16xf32>,
      %gather3A_310 = tpu.vector_load_idx %arg15[%get3A_303] : memref<10000xf32, #tpu.memory_space<vmem>>[vector<16xi32>], vector<16xf32>,
      %swap3A_311 = arith.constant 224 : index
      %swap3A_312 = tpu.vector_load %arg18[%swap3A_311] {strides = array<i32>} : memref<400xf32, #tpu.memory_space<vmem>>, vector<16xf32>,
      tpu.vector_store %arg18[%swap3A_311], %gather3A_310 {strides = array<i32>} : memref<400xf32, #tpu.memory_space<vmem>>, vector<16xf32>,
      %mul3A_313 = arith.constant 5 : i32
      %mul3A_314 = arith.muli %scan3A_6, %mul3A_313 : i32
      %add3A_315 = arith.constant 3 : i32
      %add3A_316 = arith.addi %mul3A_314, %add3A_315 : i32
      %get3A_317 = arith.index_cast %add3A_316 : i32 to index
      %get3A_318 = arith.constant 0 : index
      %get3A_319 = tpu.vector_load %arg11[%get3A_317, %get3A_318] {strides = array<i32>} : memref<125x80xi32, #tpu.memory_space<vmem>>, vector<16xi32>,
      %gather3A_320 = tpu.vector_load_idx %arg13[%get3A_319] : memref<10000xf32, #tpu.memory_space<vmem>>[vector<16xi32>], vector<16xf32>,
      %swap3A_321 = arith.constant 240 : index
      %swap3A_322 = tpu.vector_load %arg16[%swap3A_321] {strides = array<i32>} : memref<400xf32, #tpu.memory_space<vmem>>, vector<16xf32>,
      tpu.vector_store %arg16[%swap3A_321], %gather3A_320 {strides = array<i32>} : memref<400xf32, #tpu.memory_space<vmem>>, vector<16xf32>,
      %gather3A_323 = tpu.vector_load_idx %arg14[%get3A_319] : memref<10000xf32, #tpu.memory_space<vmem>>[vector<16xi32>], vector<16xf32>,
      %swap3A_324 = arith.constant 240 : index
      %swap3A_325 = tpu.vector_load %arg17[%swap3A_324] {strides = array<i32>} : memref<400xf32, #tpu.memory_space<vmem>>, vector<16xf32>,
      tpu.vector_store %arg17[%swap3A_324], %gather3A_323 {strides = array<i32>} : memref<400xf32, #tpu.memory_space<vmem>>, vector<16xf32>,
      %gather3A_326 = tpu.vector_load_idx %arg15[%get3A_319] : memref<10000xf32, #tpu.memory_space<vmem>>[vector<16xi32>], vector<16xf32>,
      %swap3A_327 = arith.constant 240 : index
      %swap3A_328 = tpu.vector_load %arg18[%swap3A_327] {strides = array<i32>} : memref<400xf32, #tpu.memory_space<vmem>>, vector<16xf32>,
      tpu.vector_store %arg18[%swap3A_327], %gather3A_326 {strides = array<i32>} : memref<400xf32, #tpu.memory_space<vmem>>, vector<16xf32>,
      %mul3A_329 = arith.constant 5 : i32
      %mul3A_330 = arith.muli %scan3A_6, %mul3A_329 : i32
      %add3A_331 = arith.constant 3 : i32
      %add3A_332 = arith.addi %mul3A_330, %add3A_331 : i32
      %get3A_333 = arith.index_cast %add3A_332 : i32 to index
      %get3A_334 = arith.constant 16 : index
      %get3A_335 = tpu.vector_load %arg11[%get3A_333, %get3A_334] {strides = array<i32>} : memref<125x80xi32, #tpu.memory_space<vmem>>, vector<16xi32>,
      %gather3A_336 = tpu.vector_load_idx %arg13[%get3A_335] : memref<10000xf32, #tpu.memory_space<vmem>>[vector<16xi32>], vector<16xf32>,
      %swap3A_337 = arith.constant 256 : index
      %swap3A_338 = tpu.vector_load %arg16[%swap3A_337] {strides = array<i32>} : memref<400xf32, #tpu.memory_space<vmem>>, vector<16xf32>,
      tpu.vector_store %arg16[%swap3A_337], %gather3A_336 {strides = array<i32>} : memref<400xf32, #tpu.memory_space<vmem>>, vector<16xf32>,
      %gather3A_339 = tpu.vector_load_idx %arg14[%get3A_335] : memref<10000xf32, #tpu.memory_space<vmem>>[vector<16xi32>], vector<16xf32>,
      %swap3A_340 = arith.constant 256 : index
      %swap3A_341 = tpu.vector_load %arg17[%swap3A_340] {strides = array<i32>} : memref<400xf32, #tpu.memory_space<vmem>>, vector<16xf32>,
      tpu.vector_store %arg17[%swap3A_340], %gather3A_339 {strides = array<i32>} : memref<400xf32, #tpu.memory_space<vmem>>, vector<16xf32>,
      %gather3A_342 = tpu.vector_load_idx %arg15[%get3A_335] : memref<10000xf32, #tpu.memory_space<vmem>>[vector<16xi32>], vector<16xf32>,
      %swap3A_343 = arith.constant 256 : index
      %swap3A_344 = tpu.vector_load %arg18[%swap3A_343] {strides = array<i32>} : memref<400xf32, #tpu.memory_space<vmem>>, vector<16xf32>,
      tpu.vector_store %arg18[%swap3A_343], %gather3A_342 {strides = array<i32>} : memref<400xf32, #tpu.memory_space<vmem>>, vector<16xf32>,
      %mul3A_345 = arith.constant 5 : i32
      %mul3A_346 = arith.muli %scan3A_6, %mul3A_345 : i32
      %add3A_347 = arith.constant 3 : i32
      %add3A_348 = arith.addi %mul3A_346, %add3A_347 : i32
      %get3A_349 = arith.index_cast %add3A_348 : i32 to index
      %get3A_350 = arith.constant 32 : index
      %get3A_351 = tpu.vector_load %arg11[%get3A_349, %get3A_350] {strides = array<i32>} : memref<125x80xi32, #tpu.memory_space<vmem>>, vector<16xi32>,
      %gather3A_352 = tpu.vector_load_idx %arg13[%get3A_351] : memref<10000xf32, #tpu.memory_space<vmem>>[vector<16xi32>], vector<16xf32>,
      %swap3A_353 = arith.constant 272 : index
      %swap3A_354 = tpu.vector_load %arg16[%swap3A_353] {strides = array<i32>} : memref<400xf32, #tpu.memory_space<vmem>>, vector<16xf32>,
      tpu.vector_store %arg16[%swap3A_353], %gather3A_352 {strides = array<i32>} : memref<400xf32, #tpu.memory_space<vmem>>, vector<16xf32>,
      %gather3A_355 = tpu.vector_load_idx %arg14[%get3A_351] : memref<10000xf32, #tpu.memory_space<vmem>>[vector<16xi32>], vector<16xf32>,
      %swap3A_356 = arith.constant 272 : index
      %swap3A_357 = tpu.vector_load %arg17[%swap3A_356] {strides = array<i32>} : memref<400xf32, #tpu.memory_space<vmem>>, vector<16xf32>,
      tpu.vector_store %arg17[%swap3A_356], %gather3A_355 {strides = array<i32>} : memref<400xf32, #tpu.memory_space<vmem>>, vector<16xf32>,
      %gather3A_358 = tpu.vector_load_idx %arg15[%get3A_351] : memref<10000xf32, #tpu.memory_space<vmem>>[vector<16xi32>], vector<16xf32>,
      %swap3A_359 = arith.constant 272 : index
      %swap3A_360 = tpu.vector_load %arg18[%swap3A_359] {strides = array<i32>} : memref<400xf32, #tpu.memory_space<vmem>>, vector<16xf32>,
      tpu.vector_store %arg18[%swap3A_359], %gather3A_358 {strides = array<i32>} : memref<400xf32, #tpu.memory_space<vmem>>, vector<16xf32>,
      %mul3A_361 = arith.constant 5 : i32
      %mul3A_362 = arith.muli %scan3A_6, %mul3A_361 : i32
      %add3A_363 = arith.constant 3 : i32
      %add3A_364 = arith.addi %mul3A_362, %add3A_363 : i32
      %get3A_365 = arith.index_cast %add3A_364 : i32 to index
      %get3A_366 = arith.constant 48 : index
      %get3A_367 = tpu.vector_load %arg11[%get3A_365, %get3A_366] {strides = array<i32>} : memref<125x80xi32, #tpu.memory_space<vmem>>, vector<16xi32>,
      %gather3A_368 = tpu.vector_load_idx %arg13[%get3A_367] : memref<10000xf32, #tpu.memory_space<vmem>>[vector<16xi32>], vector<16xf32>,
      %swap3A_369 = arith.constant 288 : index
      %swap3A_370 = tpu.vector_load %arg16[%swap3A_369] {strides = array<i32>} : memref<400xf32, #tpu.memory_space<vmem>>, vector<16xf32>,
      tpu.vector_store %arg16[%swap3A_369], %gather3A_368 {strides = array<i32>} : memref<400xf32, #tpu.memory_space<vmem>>, vector<16xf32>,
      %gather3A_371 = tpu.vector_load_idx %arg14[%get3A_367] : memref<10000xf32, #tpu.memory_space<vmem>>[vector<16xi32>], vector<16xf32>,
      %swap3A_372 = arith.constant 288 : index
      %swap3A_373 = tpu.vector_load %arg17[%swap3A_372] {strides = array<i32>} : memref<400xf32, #tpu.memory_space<vmem>>, vector<16xf32>,
      tpu.vector_store %arg17[%swap3A_372], %gather3A_371 {strides = array<i32>} : memref<400xf32, #tpu.memory_space<vmem>>, vector<16xf32>,
      %gather3A_374 = tpu.vector_load_idx %arg15[%get3A_367] : memref<10000xf32, #tpu.memory_space<vmem>>[vector<16xi32>], vector<16xf32>,
      %swap3A_375 = arith.constant 288 : index
      %swap3A_376 = tpu.vector_load %arg18[%swap3A_375] {strides = array<i32>} : memref<400xf32, #tpu.memory_space<vmem>>, vector<16xf32>,
      tpu.vector_store %arg18[%swap3A_375], %gather3A_374 {strides = array<i32>} : memref<400xf32, #tpu.memory_space<vmem>>, vector<16xf32>,
      %mul3A_377 = arith.constant 5 : i32
      %mul3A_378 = arith.muli %scan3A_6, %mul3A_377 : i32
      %add3A_379 = arith.constant 3 : i32
      %add3A_380 = arith.addi %mul3A_378, %add3A_379 : i32
      %get3A_381 = arith.index_cast %add3A_380 : i32 to index
      %get3A_382 = arith.constant 64 : index
      %get3A_383 = tpu.vector_load %arg11[%get3A_381, %get3A_382] {strides = array<i32>} : memref<125x80xi32, #tpu.memory_space<vmem>>, vector<16xi32>,
      %gather3A_384 = tpu.vector_load_idx %arg13[%get3A_383] : memref<10000xf32, #tpu.memory_space<vmem>>[vector<16xi32>], vector<16xf32>,
      %swap3A_385 = arith.constant 304 : index
      %swap3A_386 = tpu.vector_load %arg16[%swap3A_385] {strides = array<i32>} : memref<400xf32, #tpu.memory_space<vmem>>, vector<16xf32>,
      tpu.vector_store %arg16[%swap3A_385], %gather3A_384 {strides = array<i32>} : memref<400xf32, #tpu.memory_space<vmem>>, vector<16xf32>,
      %gather3A_387 = tpu.vector_load_idx %arg14[%get3A_383] : memref<10000xf32, #tpu.memory_space<vmem>>[vector<16xi32>], vector<16xf32>,
      %swap3A_388 = arith.constant 304 : index
      %swap3A_389 = tpu.vector_load %arg17[%swap3A_388] {strides = array<i32>} : memref<400xf32, #tpu.memory_space<vmem>>, vector<16xf32>,
      tpu.vector_store %arg17[%swap3A_388], %gather3A_387 {strides = array<i32>} : memref<400xf32, #tpu.memory_space<vmem>>, vector<16xf32>,
      %gather3A_390 = tpu.vector_load_idx %arg15[%get3A_383] : memref<10000xf32, #tpu.memory_space<vmem>>[vector<16xi32>], vector<16xf32>,
      %swap3A_391 = arith.constant 304 : index
      %swap3A_392 = tpu.vector_load %arg18[%swap3A_391] {strides = array<i32>} : memref<400xf32, #tpu.memory_space<vmem>>, vector<16xf32>,
      tpu.vector_store %arg18[%swap3A_391], %gather3A_390 {strides = array<i32>} : memref<400xf32, #tpu.memory_space<vmem>>, vector<16xf32>,
      %mul3A_393 = arith.constant 5 : i32
      %mul3A_394 = arith.muli %scan3A_6, %mul3A_393 : i32
      %add3A_395 = arith.constant 4 : i32
      %add3A_396 = arith.addi %mul3A_394, %add3A_395 : i32
      %get3A_397 = arith.index_cast %add3A_396 : i32 to index
      %get3A_398 = arith.constant 0 : index
      %get3A_399 = tpu.vector_load %arg11[%get3A_397, %get3A_398] {strides = array<i32>} : memref<125x80xi32, #tpu.memory_space<vmem>>, vector<16xi32>,
      %gather3A_400 = tpu.vector_load_idx %arg13[%get3A_399] : memref<10000xf32, #tpu.memory_space<vmem>>[vector<16xi32>], vector<16xf32>,
      %swap3A_401 = arith.constant 320 : index
      %swap3A_402 = tpu.vector_load %arg16[%swap3A_401] {strides = array<i32>} : memref<400xf32, #tpu.memory_space<vmem>>, vector<16xf32>,
      tpu.vector_store %arg16[%swap3A_401], %gather3A_400 {strides = array<i32>} : memref<400xf32, #tpu.memory_space<vmem>>, vector<16xf32>,
      %gather3A_403 = tpu.vector_load_idx %arg14[%get3A_399] : memref<10000xf32, #tpu.memory_space<vmem>>[vector<16xi32>], vector<16xf32>,
      %swap3A_404 = arith.constant 320 : index
      %swap3A_405 = tpu.vector_load %arg17[%swap3A_404] {strides = array<i32>} : memref<400xf32, #tpu.memory_space<vmem>>, vector<16xf32>,
      tpu.vector_store %arg17[%swap3A_404], %gather3A_403 {strides = array<i32>} : memref<400xf32, #tpu.memory_space<vmem>>, vector<16xf32>,
      %gather3A_406 = tpu.vector_load_idx %arg15[%get3A_399] : memref<10000xf32, #tpu.memory_space<vmem>>[vector<16xi32>], vector<16xf32>,
      %swap3A_407 = arith.constant 320 : index
      %swap3A_408 = tpu.vector_load %arg18[%swap3A_407] {strides = array<i32>} : memref<400xf32, #tpu.memory_space<vmem>>, vector<16xf32>,
      tpu.vector_store %arg18[%swap3A_407], %gather3A_406 {strides = array<i32>} : memref<400xf32, #tpu.memory_space<vmem>>, vector<16xf32>,
      %mul3A_409 = arith.constant 5 : i32
      %mul3A_410 = arith.muli %scan3A_6, %mul3A_409 : i32
      %add3A_411 = arith.constant 4 : i32
      %add3A_412 = arith.addi %mul3A_410, %add3A_411 : i32
      %get3A_413 = arith.index_cast %add3A_412 : i32 to index
      %get3A_414 = arith.constant 16 : index
      %get3A_415 = tpu.vector_load %arg11[%get3A_413, %get3A_414] {strides = array<i32>} : memref<125x80xi32, #tpu.memory_space<vmem>>, vector<16xi32>,
      %gather3A_416 = tpu.vector_load_idx %arg13[%get3A_415] : memref<10000xf32, #tpu.memory_space<vmem>>[vector<16xi32>], vector<16xf32>,
      %swap3A_417 = arith.constant 336 : index
      %swap3A_418 = tpu.vector_load %arg16[%swap3A_417] {strides = array<i32>} : memref<400xf32, #tpu.memory_space<vmem>>, vector<16xf32>,
      tpu.vector_store %arg16[%swap3A_417], %gather3A_416 {strides = array<i32>} : memref<400xf32, #tpu.memory_space<vmem>>, vector<16xf32>,
      %gather3A_419 = tpu.vector_load_idx %arg14[%get3A_415] : memref<10000xf32, #tpu.memory_space<vmem>>[vector<16xi32>], vector<16xf32>,
      %swap3A_420 = arith.constant 336 : index
      %swap3A_421 = tpu.vector_load %arg17[%swap3A_420] {strides = array<i32>} : memref<400xf32, #tpu.memory_space<vmem>>, vector<16xf32>,
      tpu.vector_store %arg17[%swap3A_420], %gather3A_419 {strides = array<i32>} : memref<400xf32, #tpu.memory_space<vmem>>, vector<16xf32>,
      %gather3A_422 = tpu.vector_load_idx %arg15[%get3A_415] : memref<10000xf32, #tpu.memory_space<vmem>>[vector<16xi32>], vector<16xf32>,
      %swap3A_423 = arith.constant 336 : index
      %swap3A_424 = tpu.vector_load %arg18[%swap3A_423] {strides = array<i32>} : memref<400xf32, #tpu.memory_space<vmem>>, vector<16xf32>,
      tpu.vector_store %arg18[%swap3A_423], %gather3A_422 {strides = array<i32>} : memref<400xf32, #tpu.memory_space<vmem>>, vector<16xf32>,
      %mul3A_425 = arith.constant 5 : i32
      %mul3A_426 = arith.muli %scan3A_6, %mul3A_425 : i32
      %add3A_427 = arith.constant 4 : i32
      %add3A_428 = arith.addi %mul3A_426, %add3A_427 : i32
      %get3A_429 = arith.index_cast %add3A_428 : i32 to index
      %get3A_430 = arith.constant 32 : index
      %get3A_431 = tpu.vector_load %arg11[%get3A_429, %get3A_430] {strides = array<i32>} : memref<125x80xi32, #tpu.memory_space<vmem>>, vector<16xi32>,
      %gather3A_432 = tpu.vector_load_idx %arg13[%get3A_431] : memref<10000xf32, #tpu.memory_space<vmem>>[vector<16xi32>], vector<16xf32>,
      %swap3A_433 = arith.constant 352 : index
      %swap3A_434 = tpu.vector_load %arg16[%swap3A_433] {strides = array<i32>} : memref<400xf32, #tpu.memory_space<vmem>>, vector<16xf32>,
      tpu.vector_store %arg16[%swap3A_433], %gather3A_432 {strides = array<i32>} : memref<400xf32, #tpu.memory_space<vmem>>, vector<16xf32>,
      %gather3A_435 = tpu.vector_load_idx %arg14[%get3A_431] : memref<10000xf32, #tpu.memory_space<vmem>>[vector<16xi32>], vector<16xf32>,
      %swap3A_436 = arith.constant 352 : index
      %swap3A_437 = tpu.vector_load %arg17[%swap3A_436] {strides = array<i32>} : memref<400xf32, #tpu.memory_space<vmem>>, vector<16xf32>,
      tpu.vector_store %arg17[%swap3A_436], %gather3A_435 {strides = array<i32>} : memref<400xf32, #tpu.memory_space<vmem>>, vector<16xf32>,
      %gather3A_438 = tpu.vector_load_idx %arg15[%get3A_431] : memref<10000xf32, #tpu.memory_space<vmem>>[vector<16xi32>], vector<16xf32>,
      %swap3A_439 = arith.constant 352 : index
      %swap3A_440 = tpu.vector_load %arg18[%swap3A_439] {strides = array<i32>} : memref<400xf32, #tpu.memory_space<vmem>>, vector<16xf32>,
      tpu.vector_store %arg18[%swap3A_439], %gather3A_438 {strides = array<i32>} : memref<400xf32, #tpu.memory_space<vmem>>, vector<16xf32>,
      %mul3A_441 = arith.constant 5 : i32
      %mul3A_442 = arith.muli %scan3A_6, %mul3A_441 : i32
      %add3A_443 = arith.constant 4 : i32
      %add3A_444 = arith.addi %mul3A_442, %add3A_443 : i32
      %get3A_445 = arith.index_cast %add3A_444 : i32 to index
      %get3A_446 = arith.constant 48 : index
      %get3A_447 = tpu.vector_load %arg11[%get3A_445, %get3A_446] {strides = array<i32>} : memref<125x80xi32, #tpu.memory_space<vmem>>, vector<16xi32>,
      %gather3A_448 = tpu.vector_load_idx %arg13[%get3A_447] : memref<10000xf32, #tpu.memory_space<vmem>>[vector<16xi32>], vector<16xf32>,
      %swap3A_449 = arith.constant 368 : index
      %swap3A_450 = tpu.vector_load %arg16[%swap3A_449] {strides = array<i32>} : memref<400xf32, #tpu.memory_space<vmem>>, vector<16xf32>,
      tpu.vector_store %arg16[%swap3A_449], %gather3A_448 {strides = array<i32>} : memref<400xf32, #tpu.memory_space<vmem>>, vector<16xf32>,
      %gather3A_451 = tpu.vector_load_idx %arg14[%get3A_447] : memref<10000xf32, #tpu.memory_space<vmem>>[vector<16xi32>], vector<16xf32>,
      %swap3A_452 = arith.constant 368 : index
      %swap3A_453 = tpu.vector_load %arg17[%swap3A_452] {strides = array<i32>} : memref<400xf32, #tpu.memory_space<vmem>>, vector<16xf32>,
      tpu.vector_store %arg17[%swap3A_452], %gather3A_451 {strides = array<i32>} : memref<400xf32, #tpu.memory_space<vmem>>, vector<16xf32>,
      %gather3A_454 = tpu.vector_load_idx %arg15[%get3A_447] : memref<10000xf32, #tpu.memory_space<vmem>>[vector<16xi32>], vector<16xf32>,
      %swap3A_455 = arith.constant 368 : index
      %swap3A_456 = tpu.vector_load %arg18[%swap3A_455] {strides = array<i32>} : memref<400xf32, #tpu.memory_space<vmem>>, vector<16xf32>,
      tpu.vector_store %arg18[%swap3A_455], %gather3A_454 {strides = array<i32>} : memref<400xf32, #tpu.memory_space<vmem>>, vector<16xf32>,
      %mul3A_457 = arith.constant 5 : i32
      %mul3A_458 = arith.muli %scan3A_6, %mul3A_457 : i32
      %add3A_459 = arith.constant 4 : i32
      %add3A_460 = arith.addi %mul3A_458, %add3A_459 : i32
      %get3A_461 = arith.index_cast %add3A_460 : i32 to index
      %get3A_462 = arith.constant 64 : index
      %get3A_463 = tpu.vector_load %arg11[%get3A_461, %get3A_462] {strides = array<i32>} : memref<125x80xi32, #tpu.memory_space<vmem>>, vector<16xi32>,
      %gather3A_464 = tpu.vector_load_idx %arg13[%get3A_463] : memref<10000xf32, #tpu.memory_space<vmem>>[vector<16xi32>], vector<16xf32>,
      %swap3A_465 = arith.constant 384 : index
      %swap3A_466 = tpu.vector_load %arg16[%swap3A_465] {strides = array<i32>} : memref<400xf32, #tpu.memory_space<vmem>>, vector<16xf32>,
      tpu.vector_store %arg16[%swap3A_465], %gather3A_464 {strides = array<i32>} : memref<400xf32, #tpu.memory_space<vmem>>, vector<16xf32>,
      %gather3A_467 = tpu.vector_load_idx %arg14[%get3A_463] : memref<10000xf32, #tpu.memory_space<vmem>>[vector<16xi32>], vector<16xf32>,
      %swap3A_468 = arith.constant 384 : index
      %swap3A_469 = tpu.vector_load %arg17[%swap3A_468] {strides = array<i32>} : memref<400xf32, #tpu.memory_space<vmem>>, vector<16xf32>,
      tpu.vector_store %arg17[%swap3A_468], %gather3A_467 {strides = array<i32>} : memref<400xf32, #tpu.memory_space<vmem>>, vector<16xf32>,
      %gather3A_470 = tpu.vector_load_idx %arg15[%get3A_463] : memref<10000xf32, #tpu.memory_space<vmem>>[vector<16xi32>], vector<16xf32>,
      %swap3A_471 = arith.constant 384 : index
      %swap3A_472 = tpu.vector_load %arg18[%swap3A_471] {strides = array<i32>} : memref<400xf32, #tpu.memory_space<vmem>>, vector<16xf32>,
      tpu.vector_store %arg18[%swap3A_471], %gather3A_470 {strides = array<i32>} : memref<400xf32, #tpu.memory_space<vmem>>, vector<16xf32>,
      %dma_wait3A = arith.constant 0 : i32
      %dma_wait3A_473 = arith.constant 0 : i32
      %dma_wait3A_474 = tpu.memref_slice %arg12[%dma_wait3A, %dma_wait3A_473] : memref<400x128xf32, #tpu.memory_space<vmem>> -> memref<80x128xf32, #tpu.memory_space<vmem>>
      %dma_wait3A_475 = arith.constant 0 : i32
      %dma_wait3A_476 = tpu.memref_slice %arg11[%add3A_15, %dma_wait3A_475] : memref<125x80xi32, #tpu.memory_space<vmem>> -> memref<1x80xi32, #tpu.memory_space<vmem>>
      %dma_wait3A_477 = tpu.memref_squeeze %dma_wait3A_476 : memref<1x80xi32, #tpu.memory_space<vmem>> -> memref<80xi32, #tpu.memory_space<vmem>>
      %dma_wait3A_478 = arith.constant 0 : i32
      %dma_wait3A_479 = arith.constant 0 : i32
      %dma_wait3A_480 = tpu.memref_slice %arg3[%dma_wait3A_478, %dma_wait3A_479] : memref<10000x128xf32, #tpu.memory_space<hbm>> -> memref<10000x128xf32, #tpu.memory_space<hbm>>
      tpu.wait_indirect_dma semaphore(%arg19 : memref<!tpu.dma_semaphore, #tpu.memory_space<semaphore_mem>>) src(%dma_wait3A_480 : memref<10000x128xf32, #tpu.memory_space<hbm>>) dst(%dma_wait3A_474 : memref<80x128xf32, #tpu.memory_space<vmem>>)
      %dma_wait3A_481 = arith.constant 80 : i32
      %dma_wait3A_482 = arith.constant 0 : i32
      %dma_wait3A_483 = tpu.memref_slice %arg12[%dma_wait3A_481, %dma_wait3A_482] : memref<400x128xf32, #tpu.memory_space<vmem>> -> memref<80x128xf32, #tpu.memory_space<vmem>>
      %dma_wait3A_484 = arith.constant 0 : i32
      %dma_wait3A_485 = tpu.memref_slice %arg11[%add3A_27, %dma_wait3A_484] : memref<125x80xi32, #tpu.memory_space<vmem>> -> memref<1x80xi32, #tpu.memory_space<vmem>>
      %dma_wait3A_486 = tpu.memref_squeeze %dma_wait3A_485 : memref<1x80xi32, #tpu.memory_space<vmem>> -> memref<80xi32, #tpu.memory_space<vmem>>
      %dma_wait3A_487 = arith.constant 0 : i32
      %dma_wait3A_488 = arith.constant 0 : i32
      %dma_wait3A_489 = tpu.memref_slice %arg3[%dma_wait3A_487, %dma_wait3A_488] : memref<10000x128xf32, #tpu.memory_space<hbm>> -> memref<10000x128xf32, #tpu.memory_space<hbm>>
      tpu.wait_indirect_dma semaphore(%arg19 : memref<!tpu.dma_semaphore, #tpu.memory_space<semaphore_mem>>) src(%dma_wait3A_489 : memref<10000x128xf32, #tpu.memory_space<hbm>>) dst(%dma_wait3A_483 : memref<80x128xf32, #tpu.memory_space<vmem>>)
      %dma_wait3A_490 = arith.constant 160 : i32
      %dma_wait3A_491 = arith.constant 0 : i32
      %dma_wait3A_492 = tpu.memref_slice %arg12[%dma_wait3A_490, %dma_wait3A_491] : memref<400x128xf32, #tpu.memory_space<vmem>> -> memref<80x128xf32, #tpu.memory_space<vmem>>
      %dma_wait3A_493 = arith.constant 0 : i32
      %dma_wait3A_494 = tpu.memref_slice %arg11[%add3A_40, %dma_wait3A_493] : memref<125x80xi32, #tpu.memory_space<vmem>> -> memref<1x80xi32, #tpu.memory_space<vmem>>
      %dma_wait3A_495 = tpu.memref_squeeze %dma_wait3A_494 : memref<1x80xi32, #tpu.memory_space<vmem>> -> memref<80xi32, #tpu.memory_space<vmem>>
      %dma_wait3A_496 = arith.constant 0 : i32
      %dma_wait3A_497 = arith.constant 0 : i32
      %dma_wait3A_498 = tpu.memref_slice %arg3[%dma_wait3A_496, %dma_wait3A_497] : memref<10000x128xf32, #tpu.memory_space<hbm>> -> memref<10000x128xf32, #tpu.memory_space<hbm>>
      tpu.wait_indirect_dma semaphore(%arg19 : memref<!tpu.dma_semaphore, #tpu.memory_space<semaphore_mem>>) src(%dma_wait3A_498 : memref<10000x128xf32, #tpu.memory_space<hbm>>) dst(%dma_wait3A_492 : memref<80x128xf32, #tpu.memory_space<vmem>>)
      %dma_wait3A_499 = arith.constant 240 : i32
      %dma_wait3A_500 = arith.constant 0 : i32
      %dma_wait3A_501 = tpu.memref_slice %arg12[%dma_wait3A_499, %dma_wait3A_500] : memref<400x128xf32, #tpu.memory_space<vmem>> -> memref<80x128xf32, #tpu.memory_space<vmem>>
      %dma_wait3A_502 = arith.constant 0 : i32
      %dma_wait3A_503 = tpu.memref_slice %arg11[%add3A_53, %dma_wait3A_502] : memref<125x80xi32, #tpu.memory_space<vmem>> -> memref<1x80xi32, #tpu.memory_space<vmem>>
      %dma_wait3A_504 = tpu.memref_squeeze %dma_wait3A_503 : memref<1x80xi32, #tpu.memory_space<vmem>> -> memref<80xi32, #tpu.memory_space<vmem>>
      %dma_wait3A_505 = arith.constant 0 : i32
      %dma_wait3A_506 = arith.constant 0 : i32
      %dma_wait3A_507 = tpu.memref_slice %arg3[%dma_wait3A_505, %dma_wait3A_506] : memref<10000x128xf32, #tpu.memory_space<hbm>> -> memref<10000x128xf32, #tpu.memory_space<hbm>>
      tpu.wait_indirect_dma semaphore(%arg19 : memref<!tpu.dma_semaphore, #tpu.memory_space<semaphore_mem>>) src(%dma_wait3A_507 : memref<10000x128xf32, #tpu.memory_space<hbm>>) dst(%dma_wait3A_501 : memref<80x128xf32, #tpu.memory_space<vmem>>)
      %dma_wait3A_508 = arith.constant 320 : i32
      %dma_wait3A_509 = arith.constant 0 : i32
      %dma_wait3A_510 = tpu.memref_slice %arg12[%dma_wait3A_508, %dma_wait3A_509] : memref<400x128xf32, #tpu.memory_space<vmem>> -> memref<80x128xf32, #tpu.memory_space<vmem>>
      %dma_wait3A_511 = arith.constant 0 : i32
      %dma_wait3A_512 = tpu.memref_slice %arg11[%add3A_66, %dma_wait3A_511] : memref<125x80xi32, #tpu.memory_space<vmem>> -> memref<1x80xi32, #tpu.memory_space<vmem>>
      %dma_wait3A_513 = tpu.memref_squeeze %dma_wait3A_512 : memref<1x80xi32, #tpu.memory_space<vmem>> -> memref<80xi32, #tpu.memory_space<vmem>>
      %dma_wait3A_514 = arith.constant 0 : i32
      %dma_wait3A_515 = arith.constant 0 : i32
      %dma_wait3A_516 = tpu.memref_slice %arg3[%dma_wait3A_514, %dma_wait3A_515] : memref<10000x128xf32, #tpu.memory_space<hbm>> -> memref<10000x128xf32, #tpu.memory_space<hbm>>
      tpu.wait_indirect_dma semaphore(%arg19 : memref<!tpu.dma_semaphore, #tpu.memory_space<semaphore_mem>>) src(%dma_wait3A_516 : memref<10000x128xf32, #tpu.memory_space<hbm>>) dst(%dma_wait3A_510 : memref<80x128xf32, #tpu.memory_space<vmem>>)
      "tpu.region"() ({
        %run_scoped3A = tpu.sem_alloc : memref<!tpu.dma_semaphore, #tpu.memory_space<semaphore_mem>>
        %dma_start3A_517 = arith.constant 0 : i32
        %dma_start3A_518 = tpu.memref_slice %arg7[%multiple_of3A, %dma_start3A_517] : memref<320000x128xf32, #tpu.memory_space<hbm>> -> memref<400x128xf32, #tpu.memory_space<hbm>>
        %dma_start3A_519 = arith.constant 0 : i32
        %dma_start3A_520 = tpu.memref_slice %arg7[%multiple_of3A, %dma_start3A_519] : memref<320000x128xf32, #tpu.memory_space<hbm>> -> memref<400x128xf32, #tpu.memory_space<hbm>>
        tpu.enqueue_dma source(%arg12 : memref<400x128xf32, #tpu.memory_space<vmem>>) target(%dma_start3A_520 : memref<400x128xf32, #tpu.memory_space<hbm>>) target_semaphore(%run_scoped3A : memref<!tpu.dma_semaphore, #tpu.memory_space<semaphore_mem>>)
        %dma_wait3A_521 = arith.constant 0 : i32
        %dma_wait3A_522 = tpu.memref_slice %arg7[%multiple_of3A, %dma_wait3A_521] : memref<320000x128xf32, #tpu.memory_space<hbm>> -> memref<400x128xf32, #tpu.memory_space<hbm>>
        %dma_wait3A_523 = arith.constant 0 : i32
        %dma_wait3A_524 = tpu.memref_slice %arg7[%multiple_of3A, %dma_wait3A_523] : memref<320000x128xf32, #tpu.memory_space<hbm>> -> memref<400x128xf32, #tpu.memory_space<hbm>>
        tpu.wait_dma2 semaphore(%run_scoped3A : memref<!tpu.dma_semaphore, #tpu.memory_space<semaphore_mem>>) src(%arg12 : memref<400x128xf32, #tpu.memory_space<vmem>>) dst(%dma_wait3A_524 : memref<400x128xf32, #tpu.memory_space<hbm>>)
        tpu.yield
      }) : () -> ()
      "tpu.region"() ({
        %run_scoped3A = tpu.sem_alloc : memref<!tpu.dma_semaphore, #tpu.memory_space<semaphore_mem>>
        %dma_start3A_517 = tpu.memref_slice %arg8[%multiple_of3A] : memref<320000xf32, #tpu.memory_space<hbm>> -> memref<400xf32, #tpu.memory_space<hbm>>
        %dma_start3A_518 = tpu.memref_slice %arg8[%multiple_of3A] : memref<320000xf32, #tpu.memory_space<hbm>> -> memref<400xf32, #tpu.memory_space<hbm>>
        tpu.enqueue_dma source(%arg16 : memref<400xf32, #tpu.memory_space<vmem>>) target(%dma_start3A_518 : memref<400xf32, #tpu.memory_space<hbm>>) target_semaphore(%run_scoped3A : memref<!tpu.dma_semaphore, #tpu.memory_space<semaphore_mem>>)
        %dma_wait3A_519 = tpu.memref_slice %arg8[%multiple_of3A] : memref<320000xf32, #tpu.memory_space<hbm>> -> memref<400xf32, #tpu.memory_space<hbm>>
        %dma_wait3A_520 = tpu.memref_slice %arg8[%multiple_of3A] : memref<320000xf32, #tpu.memory_space<hbm>> -> memref<400xf32, #tpu.memory_space<hbm>>
        tpu.wait_dma2 semaphore(%run_scoped3A : memref<!tpu.dma_semaphore, #tpu.memory_space<semaphore_mem>>) src(%arg16 : memref<400xf32, #tpu.memory_space<vmem>>) dst(%dma_wait3A_520 : memref<400xf32, #tpu.memory_space<hbm>>)
        tpu.yield
      }) : () -> ()
      "tpu.region"() ({
        %run_scoped3A = tpu.sem_alloc : memref<!tpu.dma_semaphore, #tpu.memory_space<semaphore_mem>>
        %dma_start3A_517 = tpu.memref_slice %arg9[%multiple_of3A] : memref<320000xf32, #tpu.memory_space<hbm>> -> memref<400xf32, #tpu.memory_space<hbm>>
        %dma_start3A_518 = tpu.memref_slice %arg9[%multiple_of3A] : memref<320000xf32, #tpu.memory_space<hbm>> -> memref<400xf32, #tpu.memory_space<hbm>>
        tpu.enqueue_dma source(%arg17 : memref<400xf32, #tpu.memory_space<vmem>>) target(%dma_start3A_518 : memref<400xf32, #tpu.memory_space<hbm>>) target_semaphore(%run_scoped3A : memref<!tpu.dma_semaphore, #tpu.memory_space<semaphore_mem>>)
        %dma_wait3A_519 = tpu.memref_slice %arg9[%multiple_of3A] : memref<320000xf32, #tpu.memory_space<hbm>> -> memref<400xf32, #tpu.memory_space<hbm>>
        %dma_wait3A_520 = tpu.memref_slice %arg9[%multiple_of3A] : memref<320000xf32, #tpu.memory_space<hbm>> -> memref<400xf32, #tpu.memory_space<hbm>>
        tpu.wait_dma2 semaphore(%run_scoped3A : memref<!tpu.dma_semaphore, #tpu.memory_space<semaphore_mem>>) src(%arg17 : memref<400xf32, #tpu.memory_space<vmem>>) dst(%dma_wait3A_520 : memref<400xf32, #tpu.memory_space<hbm>>)
        tpu.yield
      }) : () -> ()
      "tpu.region"() ({
        %run_scoped3A = tpu.sem_alloc : memref<!tpu.dma_semaphore, #tpu.memory_space<semaphore_mem>>
        %dma_start3A_517 = tpu.memref_slice %arg10[%multiple_of3A] : memref<320000xf32, #tpu.memory_space<hbm>> -> memref<400xf32, #tpu.memory_space<hbm>>
        %dma_start3A_518 = tpu.memref_slice %arg10[%multiple_of3A] : memref<320000xf32, #tpu.memory_space<hbm>> -> memref<400xf32, #tpu.memory_space<hbm>>
        tpu.enqueue_dma source(%arg18 : memref<400xf32, #tpu.memory_space<vmem>>) target(%dma_start3A_518 : memref<400xf32, #tpu.memory_space<hbm>>) target_semaphore(%run_scoped3A : memref<!tpu.dma_semaphore, #tpu.memory_space<semaphore_mem>>)
        %dma_wait3A_519 = tpu.memref_slice %arg10[%multiple_of3A] : memref<320000xf32, #tpu.memory_space<hbm>> -> memref<400xf32, #tpu.memory_space<hbm>>
        %dma_wait3A_520 = tpu.memref_slice %arg10[%multiple_of3A] : memref<320000xf32, #tpu.memory_space<hbm>> -> memref<400xf32, #tpu.memory_space<hbm>>
        tpu.wait_dma2 semaphore(%run_scoped3A : memref<!tpu.dma_semaphore, #tpu.memory_space<semaphore_mem>>) src(%arg18 : memref<400xf32, #tpu.memory_space<vmem>>) dst(%dma_wait3A_520 : memref<400xf32, #tpu.memory_space<hbm>>)
        tpu.yield
      }) : () -> ()
    }
    %scan3A_5 = arith.constant 25 : i32
    return
  }
}

module attributes {stable_mosaic.version = 14 : i64} {
  func.func @body(%arg0: i32, %arg1: memref<16x4xf32, #tpu.memory_space<smem>>, %arg2: memref<400x16xf32, #tpu.memory_space<vmem>>, %arg3: memref<400x32xf32, #tpu.memory_space<vmem>>, %arg4: memref<400x32xf32, #tpu.memory_space<vmem>>, %arg5: memref<400x32xf32, #tpu.memory_space<vmem>>, %arg6: memref<400x4096xf32, #tpu.memory_space<vmem>>, %arg7: memref<1920x128xbf16, #tpu.memory_space<vmem>>, %arg8: memref<400x128xf32, #tpu.memory_space<vmem>>, %arg9: memref<2x128xf32, #tpu.memory_space<vmem>>) attributes {dimension_semantics = [#tpu.dimension_semantics<arbitrary>], iteration_bounds = array<i64: 25>, scalar_prefetch = 0 : i64, scratch_operands = 0 : i64, tpu.core_type = #tpu.core_type<tc>, window_params = [{transform_indices = @transform_0, window_bounds = array<i64: 16, 4>}, {transform_indices = @transform_1, window_bounds = array<i64: 400, 16>}, {transform_indices = @transform_2, window_bounds = array<i64: 400, 32>}, {transform_indices = @transform_3, window_bounds = array<i64: 400, 32>}, {transform_indices = @transform_4, window_bounds = array<i64: 400, 32>}, {transform_indices = @transform_5, window_bounds = array<i64: 400, 4096>}, {pipeline_mode = #tpu.pipeline_mode<synchronous>, transform_indices = @transform_6, window_bounds = array<i64: 1920, 128>}, {transform_indices = @transform_7, window_bounds = array<i64: 400, 128>}, {pipeline_mode = #tpu.pipeline_mode<synchronous>, transform_indices = @transform_8, window_bounds = array<i64: 2, 128>}]} {
    %get3A = arith.constant 0 : index
    %get3A_0 = arith.constant 0 : index
    %get3A_1 = vector.load %arg6[%get3A, %get3A_0] : memref<400x4096xf32, #tpu.memory_space<vmem>>, vector<400x4096xf32>
    %convert_element_type3A = arith.truncf %get3A_1 : vector<400x4096xf32> to vector<400x4096xbf16>
    %get3A_2 = arith.constant 0 : index
    %get3A_3 = arith.constant 0 : index
    %get3A_4 = vector.load %arg3[%get3A_2, %get3A_3] : memref<400x32xf32, #tpu.memory_space<vmem>>, vector<400x32xf32>
    %get3A_5 = arith.constant 0 : index
    %get3A_6 = arith.constant 0 : index
    %get3A_7 = vector.load %arg2[%get3A_5, %get3A_6] : memref<400x16xf32, #tpu.memory_space<vmem>>, vector<400x1xf32>
    %sub3A = vector.broadcast %get3A_7 : vector<400x1xf32> to vector<400x32xf32>
    %sub3A_8 = arith.subf %get3A_4, %sub3A : vector<400x32xf32>
    %get3A_9 = arith.constant 0 : index
    %get3A_10 = arith.constant 0 : index
    %get3A_11 = vector.load %arg4[%get3A_9, %get3A_10] : memref<400x32xf32, #tpu.memory_space<vmem>>, vector<400x32xf32>
    %get3A_12 = arith.constant 0 : index
    %get3A_13 = arith.constant 1 : index
    %get3A_14 = vector.load %arg2[%get3A_12, %get3A_13] : memref<400x16xf32, #tpu.memory_space<vmem>>, vector<400x1xf32>
    %sub3A_15 = vector.broadcast %get3A_14 : vector<400x1xf32> to vector<400x32xf32>
    %sub3A_16 = arith.subf %get3A_11, %sub3A_15 : vector<400x32xf32>
    %get3A_17 = arith.constant 0 : index
    %get3A_18 = arith.constant 0 : index
    %get3A_19 = vector.load %arg5[%get3A_17, %get3A_18] : memref<400x32xf32, #tpu.memory_space<vmem>>, vector<400x32xf32>
    %get3A_20 = arith.constant 0 : index
    %get3A_21 = arith.constant 2 : index
    %get3A_22 = vector.load %arg2[%get3A_20, %get3A_21] : memref<400x16xf32, #tpu.memory_space<vmem>>, vector<400x1xf32>
    %sub3A_23 = vector.broadcast %get3A_22 : vector<400x1xf32> to vector<400x32xf32>
    %sub3A_24 = arith.subf %get3A_19, %sub3A_23 : vector<400x32xf32>
    %iota3A = tpu.iota {dimensions = array<i32: 0>} : vector<32x4096xi32>
    %iota3A_25 = tpu.iota {dimensions = array<i32: 1>} : vector<32x4096xi32>
    %jit3A = arith.constant 128 : i32
    %div3A = vector.broadcast %jit3A : i32 to vector<32x4096xi32>
    %div3A_26 = arith.divsi %iota3A_25, %div3A : vector<32x4096xi32>
    %sign3A = arith.constant 0 : i32
    %sign3A_27 = vector.broadcast %sign3A : i32 to vector<32x4096xi32>
    %sign3A_28 = arith.cmpi sgt, %iota3A_25, %sign3A_27 : vector<32x4096xi32>
    %sign3A_29 = arith.extui %sign3A_28 : vector<32x4096xi1> to vector<32x4096xi32>
    %sign3A_30 = arith.constant 0 : i32
    %sign3A_31 = vector.broadcast %sign3A_30 : i32 to vector<32x4096xi32>
    %sign3A_32 = arith.cmpi slt, %iota3A_25, %sign3A_31 : vector<32x4096xi32>
    %sign3A_33 = arith.extui %sign3A_32 : vector<32x4096xi1> to vector<32x4096xi32>
    %sign3A_34 = arith.subi %sign3A_29, %sign3A_33 : vector<32x4096xi32>
    %sign3A_35 = arith.constant 0 : i32
    %sign3A_36 = arith.cmpi sgt, %jit3A, %sign3A_35 : i32
    %sign3A_37 = arith.extui %sign3A_36 : i1 to i32
    %sign3A_38 = arith.constant 0 : i32
    %sign3A_39 = arith.cmpi slt, %jit3A, %sign3A_38 : i32
    %sign3A_40 = arith.extui %sign3A_39 : i1 to i32
    %sign3A_41 = arith.subi %sign3A_37, %sign3A_40 : i32
    %ne3A = vector.broadcast %sign3A_41 : i32 to vector<32x4096xi32>
    %ne3A_42 = arith.cmpi ne, %sign3A_34, %ne3A : vector<32x4096xi32>
    %rem3A = vector.broadcast %jit3A : i32 to vector<32x4096xi32>
    %rem3A_43 = arith.remsi %iota3A_25, %rem3A : vector<32x4096xi32>
    %ne3A_44 = arith.constant 0 : i32
    %ne3A_45 = vector.broadcast %ne3A_44 : i32 to vector<32x4096xi32>
    %ne3A_46 = arith.cmpi ne, %rem3A_43, %ne3A_45 : vector<32x4096xi32>
    %and3A = arith.andi %ne3A_42, %ne3A_46 : vector<32x4096xi1>
    %sub3A_47 = arith.constant 1 : i32
    %sub3A_48 = vector.broadcast %sub3A_47 : i32 to vector<32x4096xi32>
    %sub3A_49 = arith.subi %div3A_26, %sub3A_48 : vector<32x4096xi32>
    %select_n3A = arith.select %and3A, %sub3A_49, %div3A_26 : vector<32x4096xi1>, vector<32x4096xi32>
    %eq3A = arith.cmpi eq, %select_n3A, %iota3A : vector<32x4096xi32>
    %convert_element_type3A_50 = arith.extui %eq3A : vector<32x4096xi1> to vector<32x4096xi32>
    %convert_element_type3A_51 = arith.sitofp %convert_element_type3A_50 : vector<32x4096xi32> to vector<32x4096xf32>
    %convert_element_type3A_52 = arith.truncf %convert_element_type3A_51 : vector<32x4096xf32> to vector<32x4096xbf16>
    %get3A_53 = arith.constant 0 : index
    %get3A_54 = arith.constant 0 : index
    %get3A_55 = memref.load %arg1[%get3A_53, %get3A_54] : memref<16x4xf32, #tpu.memory_space<smem>>
    %sub3A_56 = vector.broadcast %get3A_55 : f32 to vector<400x32xf32>
    %sub3A_57 = arith.subf %sub3A_8, %sub3A_56 : vector<400x32xf32>
    %get3A_58 = arith.constant 0 : index
    %get3A_59 = arith.constant 1 : index
    %get3A_60 = memref.load %arg1[%get3A_58, %get3A_59] : memref<16x4xf32, #tpu.memory_space<smem>>
    %sub3A_61 = vector.broadcast %get3A_60 : f32 to vector<400x32xf32>
    %sub3A_62 = arith.subf %sub3A_16, %sub3A_61 : vector<400x32xf32>
    %get3A_63 = arith.constant 0 : index
    %get3A_64 = arith.constant 2 : index
    %get3A_65 = memref.load %arg1[%get3A_63, %get3A_64] : memref<16x4xf32, #tpu.memory_space<smem>>
    %sub3A_66 = vector.broadcast %get3A_65 : f32 to vector<400x32xf32>
    %sub3A_67 = arith.subf %sub3A_24, %sub3A_66 : vector<400x32xf32>
    %mul3A = arith.mulf %sub3A_57, %sub3A_57 : vector<400x32xf32>
    %mul3A_68 = arith.mulf %sub3A_62, %sub3A_62 : vector<400x32xf32>
    %add3A = arith.addf %mul3A, %mul3A_68 : vector<400x32xf32>
    %mul3A_69 = arith.mulf %sub3A_67, %sub3A_67 : vector<400x32xf32>
    %add3A_70 = arith.addf %add3A, %mul3A_69 : vector<400x32xf32>
    %sqrt3A = math.sqrt %add3A_70 : vector<400x32xf32>
    %mul3A_71 = arith.constant 0.833333313 : f32
    %mul3A_72 = vector.broadcast %mul3A_71 : f32 to vector<400x32xf32>
    %mul3A_73 = arith.mulf %sqrt3A, %mul3A_72 : vector<400x32xf32>
    %sub3A_74 = arith.constant 1.000000e+00 : f32
    %sub3A_75 = vector.broadcast %sub3A_74 : f32 to vector<400x32xf32>
    %sub3A_76 = arith.subf %sub3A_75, %mul3A_73 : vector<400x32xf32>
    %max3A = arith.constant 0.000000e+00 : f32
    %max3A_77 = vector.broadcast %max3A : f32 to vector<400x32xf32>
    %max3A_78 = arith.maximumf %sub3A_76, %max3A_77 : vector<400x32xf32>
    %convert_element_type3A_79 = arith.truncf %max3A_78 : vector<400x32xf32> to vector<400x32xbf16>
    %dot_general3A = arith.constant dense<0.000000e+00> : vector<400x4096xf32>
    %dot_general3A_80 = tpu.matmul %convert_element_type3A_79, %convert_element_type3A_52, %dot_general3A {dimension_numbers = #tpu.dot_dimension_numbers<[1], [0], [0], [1], [0, 0, 1, 1], [], []>, transpose_lhs_hint = false} : vector<400x32xbf16>, vector<32x4096xbf16>, vector<400x4096xf32> -> vector<400x4096xf32>
    %convert_element_type3A_81 = arith.truncf %dot_general3A_80 : vector<400x4096xf32> to vector<400x4096xbf16>
    %mul3A_82 = arith.mulf %convert_element_type3A_81, %convert_element_type3A : vector<400x4096xbf16>
    %slice3A = vector.extract_strided_slice %mul3A_82 {offsets = [0, 0], sizes = [400, 2048], strides = [1, 1]} : vector<400x4096xbf16> to vector<400x2048xbf16>
    %slice3A_83 = vector.extract_strided_slice %mul3A_82 {offsets = [0, 2048], sizes = [400, 2048], strides = [1, 1]} : vector<400x4096xbf16> to vector<400x2048xbf16>
    %add3A_84 = arith.addf %slice3A, %slice3A_83 : vector<400x2048xbf16>
    %convert_element_type3A_85 = arith.extf %add3A_84 : vector<400x2048xbf16> to vector<400x2048xf32>
    %slice3A_86 = vector.extract_strided_slice %convert_element_type3A_85 {offsets = [0, 0], sizes = [400, 1024], strides = [1, 1]} : vector<400x2048xf32> to vector<400x1024xf32>
    %slice3A_87 = vector.extract_strided_slice %convert_element_type3A_85 {offsets = [0, 1024], sizes = [400, 1024], strides = [1, 1]} : vector<400x2048xf32> to vector<400x1024xf32>
    %add3A_88 = arith.addf %slice3A_86, %slice3A_87 : vector<400x1024xf32>
    %slice3A_89 = vector.extract_strided_slice %add3A_88 {offsets = [0, 0], sizes = [400, 512], strides = [1, 1]} : vector<400x1024xf32> to vector<400x512xf32>
    %slice3A_90 = vector.extract_strided_slice %add3A_88 {offsets = [0, 512], sizes = [400, 512], strides = [1, 1]} : vector<400x1024xf32> to vector<400x512xf32>
    %add3A_91 = arith.addf %slice3A_89, %slice3A_90 : vector<400x512xf32>
    %slice3A_92 = vector.extract_strided_slice %add3A_91 {offsets = [0, 0], sizes = [400, 256], strides = [1, 1]} : vector<400x512xf32> to vector<400x256xf32>
    %slice3A_93 = vector.extract_strided_slice %add3A_91 {offsets = [0, 256], sizes = [400, 256], strides = [1, 1]} : vector<400x512xf32> to vector<400x256xf32>
    %add3A_94 = arith.addf %slice3A_92, %slice3A_93 : vector<400x256xf32>
    %slice3A_95 = vector.extract_strided_slice %add3A_94 {offsets = [0, 0], sizes = [400, 128], strides = [1, 1]} : vector<400x256xf32> to vector<400x128xf32>
    %slice3A_96 = vector.extract_strided_slice %add3A_94 {offsets = [0, 128], sizes = [400, 128], strides = [1, 1]} : vector<400x256xf32> to vector<400x128xf32>
    %add3A_97 = arith.addf %slice3A_95, %slice3A_96 : vector<400x128xf32>
    %get3A_98 = arith.constant 1 : index
    %get3A_99 = arith.constant 0 : index
    %get3A_100 = memref.load %arg1[%get3A_98, %get3A_99] : memref<16x4xf32, #tpu.memory_space<smem>>
    %sub3A_101 = vector.broadcast %get3A_100 : f32 to vector<400x32xf32>
    %sub3A_102 = arith.subf %sub3A_8, %sub3A_101 : vector<400x32xf32>
    %get3A_103 = arith.constant 1 : index
    %get3A_104 = arith.constant 1 : index
    %get3A_105 = memref.load %arg1[%get3A_103, %get3A_104] : memref<16x4xf32, #tpu.memory_space<smem>>
    %sub3A_106 = vector.broadcast %get3A_105 : f32 to vector<400x32xf32>
    %sub3A_107 = arith.subf %sub3A_16, %sub3A_106 : vector<400x32xf32>
    %get3A_108 = arith.constant 1 : index
    %get3A_109 = arith.constant 2 : index
    %get3A_110 = memref.load %arg1[%get3A_108, %get3A_109] : memref<16x4xf32, #tpu.memory_space<smem>>
    %sub3A_111 = vector.broadcast %get3A_110 : f32 to vector<400x32xf32>
    %sub3A_112 = arith.subf %sub3A_24, %sub3A_111 : vector<400x32xf32>
    %mul3A_113 = arith.mulf %sub3A_102, %sub3A_102 : vector<400x32xf32>
    %mul3A_114 = arith.mulf %sub3A_107, %sub3A_107 : vector<400x32xf32>
    %add3A_115 = arith.addf %mul3A_113, %mul3A_114 : vector<400x32xf32>
    %mul3A_116 = arith.mulf %sub3A_112, %sub3A_112 : vector<400x32xf32>
    %add3A_117 = arith.addf %add3A_115, %mul3A_116 : vector<400x32xf32>
    %sqrt3A_118 = math.sqrt %add3A_117 : vector<400x32xf32>
    %mul3A_119 = arith.constant 0.833333313 : f32
    %mul3A_120 = vector.broadcast %mul3A_119 : f32 to vector<400x32xf32>
    %mul3A_121 = arith.mulf %sqrt3A_118, %mul3A_120 : vector<400x32xf32>
    %sub3A_122 = arith.constant 1.000000e+00 : f32
    %sub3A_123 = vector.broadcast %sub3A_122 : f32 to vector<400x32xf32>
    %sub3A_124 = arith.subf %sub3A_123, %mul3A_121 : vector<400x32xf32>
    %max3A_125 = arith.constant 0.000000e+00 : f32
    %max3A_126 = vector.broadcast %max3A_125 : f32 to vector<400x32xf32>
    %max3A_127 = arith.maximumf %sub3A_124, %max3A_126 : vector<400x32xf32>
    %convert_element_type3A_128 = arith.truncf %max3A_127 : vector<400x32xf32> to vector<400x32xbf16>
    %dot_general3A_129 = arith.constant dense<0.000000e+00> : vector<400x4096xf32>
    %dot_general3A_130 = tpu.matmul %convert_element_type3A_128, %convert_element_type3A_52, %dot_general3A_129 {dimension_numbers = #tpu.dot_dimension_numbers<[1], [0], [0], [1], [0, 0, 1, 1], [], []>, transpose_lhs_hint = false} : vector<400x32xbf16>, vector<32x4096xbf16>, vector<400x4096xf32> -> vector<400x4096xf32>
    %convert_element_type3A_131 = arith.truncf %dot_general3A_130 : vector<400x4096xf32> to vector<400x4096xbf16>
    %mul3A_132 = arith.mulf %convert_element_type3A_131, %convert_element_type3A : vector<400x4096xbf16>
    %slice3A_133 = vector.extract_strided_slice %mul3A_132 {offsets = [0, 0], sizes = [400, 2048], strides = [1, 1]} : vector<400x4096xbf16> to vector<400x2048xbf16>
    %slice3A_134 = vector.extract_strided_slice %mul3A_132 {offsets = [0, 2048], sizes = [400, 2048], strides = [1, 1]} : vector<400x4096xbf16> to vector<400x2048xbf16>
    %add3A_135 = arith.addf %slice3A_133, %slice3A_134 : vector<400x2048xbf16>
    %convert_element_type3A_136 = arith.extf %add3A_135 : vector<400x2048xbf16> to vector<400x2048xf32>
    %slice3A_137 = vector.extract_strided_slice %convert_element_type3A_136 {offsets = [0, 0], sizes = [400, 1024], strides = [1, 1]} : vector<400x2048xf32> to vector<400x1024xf32>
    %slice3A_138 = vector.extract_strided_slice %convert_element_type3A_136 {offsets = [0, 1024], sizes = [400, 1024], strides = [1, 1]} : vector<400x2048xf32> to vector<400x1024xf32>
    %add3A_139 = arith.addf %slice3A_137, %slice3A_138 : vector<400x1024xf32>
    %slice3A_140 = vector.extract_strided_slice %add3A_139 {offsets = [0, 0], sizes = [400, 512], strides = [1, 1]} : vector<400x1024xf32> to vector<400x512xf32>
    %slice3A_141 = vector.extract_strided_slice %add3A_139 {offsets = [0, 512], sizes = [400, 512], strides = [1, 1]} : vector<400x1024xf32> to vector<400x512xf32>
    %add3A_142 = arith.addf %slice3A_140, %slice3A_141 : vector<400x512xf32>
    %slice3A_143 = vector.extract_strided_slice %add3A_142 {offsets = [0, 0], sizes = [400, 256], strides = [1, 1]} : vector<400x512xf32> to vector<400x256xf32>
    %slice3A_144 = vector.extract_strided_slice %add3A_142 {offsets = [0, 256], sizes = [400, 256], strides = [1, 1]} : vector<400x512xf32> to vector<400x256xf32>
    %add3A_145 = arith.addf %slice3A_143, %slice3A_144 : vector<400x256xf32>
    %slice3A_146 = vector.extract_strided_slice %add3A_145 {offsets = [0, 0], sizes = [400, 128], strides = [1, 1]} : vector<400x256xf32> to vector<400x128xf32>
    %slice3A_147 = vector.extract_strided_slice %add3A_145 {offsets = [0, 128], sizes = [400, 128], strides = [1, 1]} : vector<400x256xf32> to vector<400x128xf32>
    %add3A_148 = arith.addf %slice3A_146, %slice3A_147 : vector<400x128xf32>
    %get3A_149 = arith.constant 2 : index
    %get3A_150 = arith.constant 0 : index
    %get3A_151 = memref.load %arg1[%get3A_149, %get3A_150] : memref<16x4xf32, #tpu.memory_space<smem>>
    %sub3A_152 = vector.broadcast %get3A_151 : f32 to vector<400x32xf32>
    %sub3A_153 = arith.subf %sub3A_8, %sub3A_152 : vector<400x32xf32>
    %get3A_154 = arith.constant 2 : index
    %get3A_155 = arith.constant 1 : index
    %get3A_156 = memref.load %arg1[%get3A_154, %get3A_155] : memref<16x4xf32, #tpu.memory_space<smem>>
    %sub3A_157 = vector.broadcast %get3A_156 : f32 to vector<400x32xf32>
    %sub3A_158 = arith.subf %sub3A_16, %sub3A_157 : vector<400x32xf32>
    %get3A_159 = arith.constant 2 : index
    %get3A_160 = arith.constant 2 : index
    %get3A_161 = memref.load %arg1[%get3A_159, %get3A_160] : memref<16x4xf32, #tpu.memory_space<smem>>
    %sub3A_162 = vector.broadcast %get3A_161 : f32 to vector<400x32xf32>
    %sub3A_163 = arith.subf %sub3A_24, %sub3A_162 : vector<400x32xf32>
    %mul3A_164 = arith.mulf %sub3A_153, %sub3A_153 : vector<400x32xf32>
    %mul3A_165 = arith.mulf %sub3A_158, %sub3A_158 : vector<400x32xf32>
    %add3A_166 = arith.addf %mul3A_164, %mul3A_165 : vector<400x32xf32>
    %mul3A_167 = arith.mulf %sub3A_163, %sub3A_163 : vector<400x32xf32>
    %add3A_168 = arith.addf %add3A_166, %mul3A_167 : vector<400x32xf32>
    %sqrt3A_169 = math.sqrt %add3A_168 : vector<400x32xf32>
    %mul3A_170 = arith.constant 0.833333313 : f32
    %mul3A_171 = vector.broadcast %mul3A_170 : f32 to vector<400x32xf32>
    %mul3A_172 = arith.mulf %sqrt3A_169, %mul3A_171 : vector<400x32xf32>
    %sub3A_173 = arith.constant 1.000000e+00 : f32
    %sub3A_174 = vector.broadcast %sub3A_173 : f32 to vector<400x32xf32>
    %sub3A_175 = arith.subf %sub3A_174, %mul3A_172 : vector<400x32xf32>
    %max3A_176 = arith.constant 0.000000e+00 : f32
    %max3A_177 = vector.broadcast %max3A_176 : f32 to vector<400x32xf32>
    %max3A_178 = arith.maximumf %sub3A_175, %max3A_177 : vector<400x32xf32>
    %convert_element_type3A_179 = arith.truncf %max3A_178 : vector<400x32xf32> to vector<400x32xbf16>
    %dot_general3A_180 = arith.constant dense<0.000000e+00> : vector<400x4096xf32>
    %dot_general3A_181 = tpu.matmul %convert_element_type3A_179, %convert_element_type3A_52, %dot_general3A_180 {dimension_numbers = #tpu.dot_dimension_numbers<[1], [0], [0], [1], [0, 0, 1, 1], [], []>, transpose_lhs_hint = false} : vector<400x32xbf16>, vector<32x4096xbf16>, vector<400x4096xf32> -> vector<400x4096xf32>
    %convert_element_type3A_182 = arith.truncf %dot_general3A_181 : vector<400x4096xf32> to vector<400x4096xbf16>
    %mul3A_183 = arith.mulf %convert_element_type3A_182, %convert_element_type3A : vector<400x4096xbf16>
    %slice3A_184 = vector.extract_strided_slice %mul3A_183 {offsets = [0, 0], sizes = [400, 2048], strides = [1, 1]} : vector<400x4096xbf16> to vector<400x2048xbf16>
    %slice3A_185 = vector.extract_strided_slice %mul3A_183 {offsets = [0, 2048], sizes = [400, 2048], strides = [1, 1]} : vector<400x4096xbf16> to vector<400x2048xbf16>
    %add3A_186 = arith.addf %slice3A_184, %slice3A_185 : vector<400x2048xbf16>
    %convert_element_type3A_187 = arith.extf %add3A_186 : vector<400x2048xbf16> to vector<400x2048xf32>
    %slice3A_188 = vector.extract_strided_slice %convert_element_type3A_187 {offsets = [0, 0], sizes = [400, 1024], strides = [1, 1]} : vector<400x2048xf32> to vector<400x1024xf32>
    %slice3A_189 = vector.extract_strided_slice %convert_element_type3A_187 {offsets = [0, 1024], sizes = [400, 1024], strides = [1, 1]} : vector<400x2048xf32> to vector<400x1024xf32>
    %add3A_190 = arith.addf %slice3A_188, %slice3A_189 : vector<400x1024xf32>
    %slice3A_191 = vector.extract_strided_slice %add3A_190 {offsets = [0, 0], sizes = [400, 512], strides = [1, 1]} : vector<400x1024xf32> to vector<400x512xf32>
    %slice3A_192 = vector.extract_strided_slice %add3A_190 {offsets = [0, 512], sizes = [400, 512], strides = [1, 1]} : vector<400x1024xf32> to vector<400x512xf32>
    %add3A_193 = arith.addf %slice3A_191, %slice3A_192 : vector<400x512xf32>
    %slice3A_194 = vector.extract_strided_slice %add3A_193 {offsets = [0, 0], sizes = [400, 256], strides = [1, 1]} : vector<400x512xf32> to vector<400x256xf32>
    %slice3A_195 = vector.extract_strided_slice %add3A_193 {offsets = [0, 256], sizes = [400, 256], strides = [1, 1]} : vector<400x512xf32> to vector<400x256xf32>
    %add3A_196 = arith.addf %slice3A_194, %slice3A_195 : vector<400x256xf32>
    %slice3A_197 = vector.extract_strided_slice %add3A_196 {offsets = [0, 0], sizes = [400, 128], strides = [1, 1]} : vector<400x256xf32> to vector<400x128xf32>
    %slice3A_198 = vector.extract_strided_slice %add3A_196 {offsets = [0, 128], sizes = [400, 128], strides = [1, 1]} : vector<400x256xf32> to vector<400x128xf32>
    %add3A_199 = arith.addf %slice3A_197, %slice3A_198 : vector<400x128xf32>
    %get3A_200 = arith.constant 3 : index
    %get3A_201 = arith.constant 0 : index
    %get3A_202 = memref.load %arg1[%get3A_200, %get3A_201] : memref<16x4xf32, #tpu.memory_space<smem>>
    %sub3A_203 = vector.broadcast %get3A_202 : f32 to vector<400x32xf32>
    %sub3A_204 = arith.subf %sub3A_8, %sub3A_203 : vector<400x32xf32>
    %get3A_205 = arith.constant 3 : index
    %get3A_206 = arith.constant 1 : index
    %get3A_207 = memref.load %arg1[%get3A_205, %get3A_206] : memref<16x4xf32, #tpu.memory_space<smem>>
    %sub3A_208 = vector.broadcast %get3A_207 : f32 to vector<400x32xf32>
    %sub3A_209 = arith.subf %sub3A_16, %sub3A_208 : vector<400x32xf32>
    %get3A_210 = arith.constant 3 : index
    %get3A_211 = arith.constant 2 : index
    %get3A_212 = memref.load %arg1[%get3A_210, %get3A_211] : memref<16x4xf32, #tpu.memory_space<smem>>
    %sub3A_213 = vector.broadcast %get3A_212 : f32 to vector<400x32xf32>
    %sub3A_214 = arith.subf %sub3A_24, %sub3A_213 : vector<400x32xf32>
    %mul3A_215 = arith.mulf %sub3A_204, %sub3A_204 : vector<400x32xf32>
    %mul3A_216 = arith.mulf %sub3A_209, %sub3A_209 : vector<400x32xf32>
    %add3A_217 = arith.addf %mul3A_215, %mul3A_216 : vector<400x32xf32>
    %mul3A_218 = arith.mulf %sub3A_214, %sub3A_214 : vector<400x32xf32>
    %add3A_219 = arith.addf %add3A_217, %mul3A_218 : vector<400x32xf32>
    %sqrt3A_220 = math.sqrt %add3A_219 : vector<400x32xf32>
    %mul3A_221 = arith.constant 0.833333313 : f32
    %mul3A_222 = vector.broadcast %mul3A_221 : f32 to vector<400x32xf32>
    %mul3A_223 = arith.mulf %sqrt3A_220, %mul3A_222 : vector<400x32xf32>
    %sub3A_224 = arith.constant 1.000000e+00 : f32
    %sub3A_225 = vector.broadcast %sub3A_224 : f32 to vector<400x32xf32>
    %sub3A_226 = arith.subf %sub3A_225, %mul3A_223 : vector<400x32xf32>
    %max3A_227 = arith.constant 0.000000e+00 : f32
    %max3A_228 = vector.broadcast %max3A_227 : f32 to vector<400x32xf32>
    %max3A_229 = arith.maximumf %sub3A_226, %max3A_228 : vector<400x32xf32>
    %convert_element_type3A_230 = arith.truncf %max3A_229 : vector<400x32xf32> to vector<400x32xbf16>
    %dot_general3A_231 = arith.constant dense<0.000000e+00> : vector<400x4096xf32>
    %dot_general3A_232 = tpu.matmul %convert_element_type3A_230, %convert_element_type3A_52, %dot_general3A_231 {dimension_numbers = #tpu.dot_dimension_numbers<[1], [0], [0], [1], [0, 0, 1, 1], [], []>, transpose_lhs_hint = false} : vector<400x32xbf16>, vector<32x4096xbf16>, vector<400x4096xf32> -> vector<400x4096xf32>
    %convert_element_type3A_233 = arith.truncf %dot_general3A_232 : vector<400x4096xf32> to vector<400x4096xbf16>
    %mul3A_234 = arith.mulf %convert_element_type3A_233, %convert_element_type3A : vector<400x4096xbf16>
    %slice3A_235 = vector.extract_strided_slice %mul3A_234 {offsets = [0, 0], sizes = [400, 2048], strides = [1, 1]} : vector<400x4096xbf16> to vector<400x2048xbf16>
    %slice3A_236 = vector.extract_strided_slice %mul3A_234 {offsets = [0, 2048], sizes = [400, 2048], strides = [1, 1]} : vector<400x4096xbf16> to vector<400x2048xbf16>
    %add3A_237 = arith.addf %slice3A_235, %slice3A_236 : vector<400x2048xbf16>
    %convert_element_type3A_238 = arith.extf %add3A_237 : vector<400x2048xbf16> to vector<400x2048xf32>
    %slice3A_239 = vector.extract_strided_slice %convert_element_type3A_238 {offsets = [0, 0], sizes = [400, 1024], strides = [1, 1]} : vector<400x2048xf32> to vector<400x1024xf32>
    %slice3A_240 = vector.extract_strided_slice %convert_element_type3A_238 {offsets = [0, 1024], sizes = [400, 1024], strides = [1, 1]} : vector<400x2048xf32> to vector<400x1024xf32>
    %add3A_241 = arith.addf %slice3A_239, %slice3A_240 : vector<400x1024xf32>
    %slice3A_242 = vector.extract_strided_slice %add3A_241 {offsets = [0, 0], sizes = [400, 512], strides = [1, 1]} : vector<400x1024xf32> to vector<400x512xf32>
    %slice3A_243 = vector.extract_strided_slice %add3A_241 {offsets = [0, 512], sizes = [400, 512], strides = [1, 1]} : vector<400x1024xf32> to vector<400x512xf32>
    %add3A_244 = arith.addf %slice3A_242, %slice3A_243 : vector<400x512xf32>
    %slice3A_245 = vector.extract_strided_slice %add3A_244 {offsets = [0, 0], sizes = [400, 256], strides = [1, 1]} : vector<400x512xf32> to vector<400x256xf32>
    %slice3A_246 = vector.extract_strided_slice %add3A_244 {offsets = [0, 256], sizes = [400, 256], strides = [1, 1]} : vector<400x512xf32> to vector<400x256xf32>
    %add3A_247 = arith.addf %slice3A_245, %slice3A_246 : vector<400x256xf32>
    %slice3A_248 = vector.extract_strided_slice %add3A_247 {offsets = [0, 0], sizes = [400, 128], strides = [1, 1]} : vector<400x256xf32> to vector<400x128xf32>
    %slice3A_249 = vector.extract_strided_slice %add3A_247 {offsets = [0, 128], sizes = [400, 128], strides = [1, 1]} : vector<400x256xf32> to vector<400x128xf32>
    %add3A_250 = arith.addf %slice3A_248, %slice3A_249 : vector<400x128xf32>
    %get3A_251 = arith.constant 4 : index
    %get3A_252 = arith.constant 0 : index
    %get3A_253 = memref.load %arg1[%get3A_251, %get3A_252] : memref<16x4xf32, #tpu.memory_space<smem>>
    %sub3A_254 = vector.broadcast %get3A_253 : f32 to vector<400x32xf32>
    %sub3A_255 = arith.subf %sub3A_8, %sub3A_254 : vector<400x32xf32>
    %get3A_256 = arith.constant 4 : index
    %get3A_257 = arith.constant 1 : index
    %get3A_258 = memref.load %arg1[%get3A_256, %get3A_257] : memref<16x4xf32, #tpu.memory_space<smem>>
    %sub3A_259 = vector.broadcast %get3A_258 : f32 to vector<400x32xf32>
    %sub3A_260 = arith.subf %sub3A_16, %sub3A_259 : vector<400x32xf32>
    %get3A_261 = arith.constant 4 : index
    %get3A_262 = arith.constant 2 : index
    %get3A_263 = memref.load %arg1[%get3A_261, %get3A_262] : memref<16x4xf32, #tpu.memory_space<smem>>
    %sub3A_264 = vector.broadcast %get3A_263 : f32 to vector<400x32xf32>
    %sub3A_265 = arith.subf %sub3A_24, %sub3A_264 : vector<400x32xf32>
    %mul3A_266 = arith.mulf %sub3A_255, %sub3A_255 : vector<400x32xf32>
    %mul3A_267 = arith.mulf %sub3A_260, %sub3A_260 : vector<400x32xf32>
    %add3A_268 = arith.addf %mul3A_266, %mul3A_267 : vector<400x32xf32>
    %mul3A_269 = arith.mulf %sub3A_265, %sub3A_265 : vector<400x32xf32>
    %add3A_270 = arith.addf %add3A_268, %mul3A_269 : vector<400x32xf32>
    %sqrt3A_271 = math.sqrt %add3A_270 : vector<400x32xf32>
    %mul3A_272 = arith.constant 0.833333313 : f32
    %mul3A_273 = vector.broadcast %mul3A_272 : f32 to vector<400x32xf32>
    %mul3A_274 = arith.mulf %sqrt3A_271, %mul3A_273 : vector<400x32xf32>
    %sub3A_275 = arith.constant 1.000000e+00 : f32
    %sub3A_276 = vector.broadcast %sub3A_275 : f32 to vector<400x32xf32>
    %sub3A_277 = arith.subf %sub3A_276, %mul3A_274 : vector<400x32xf32>
    %max3A_278 = arith.constant 0.000000e+00 : f32
    %max3A_279 = vector.broadcast %max3A_278 : f32 to vector<400x32xf32>
    %max3A_280 = arith.maximumf %sub3A_277, %max3A_279 : vector<400x32xf32>
    %convert_element_type3A_281 = arith.truncf %max3A_280 : vector<400x32xf32> to vector<400x32xbf16>
    %dot_general3A_282 = arith.constant dense<0.000000e+00> : vector<400x4096xf32>
    %dot_general3A_283 = tpu.matmul %convert_element_type3A_281, %convert_element_type3A_52, %dot_general3A_282 {dimension_numbers = #tpu.dot_dimension_numbers<[1], [0], [0], [1], [0, 0, 1, 1], [], []>, transpose_lhs_hint = false} : vector<400x32xbf16>, vector<32x4096xbf16>, vector<400x4096xf32> -> vector<400x4096xf32>
    %convert_element_type3A_284 = arith.truncf %dot_general3A_283 : vector<400x4096xf32> to vector<400x4096xbf16>
    %mul3A_285 = arith.mulf %convert_element_type3A_284, %convert_element_type3A : vector<400x4096xbf16>
    %slice3A_286 = vector.extract_strided_slice %mul3A_285 {offsets = [0, 0], sizes = [400, 2048], strides = [1, 1]} : vector<400x4096xbf16> to vector<400x2048xbf16>
    %slice3A_287 = vector.extract_strided_slice %mul3A_285 {offsets = [0, 2048], sizes = [400, 2048], strides = [1, 1]} : vector<400x4096xbf16> to vector<400x2048xbf16>
    %add3A_288 = arith.addf %slice3A_286, %slice3A_287 : vector<400x2048xbf16>
    %convert_element_type3A_289 = arith.extf %add3A_288 : vector<400x2048xbf16> to vector<400x2048xf32>
    %slice3A_290 = vector.extract_strided_slice %convert_element_type3A_289 {offsets = [0, 0], sizes = [400, 1024], strides = [1, 1]} : vector<400x2048xf32> to vector<400x1024xf32>
    %slice3A_291 = vector.extract_strided_slice %convert_element_type3A_289 {offsets = [0, 1024], sizes = [400, 1024], strides = [1, 1]} : vector<400x2048xf32> to vector<400x1024xf32>
    %add3A_292 = arith.addf %slice3A_290, %slice3A_291 : vector<400x1024xf32>
    %slice3A_293 = vector.extract_strided_slice %add3A_292 {offsets = [0, 0], sizes = [400, 512], strides = [1, 1]} : vector<400x1024xf32> to vector<400x512xf32>
    %slice3A_294 = vector.extract_strided_slice %add3A_292 {offsets = [0, 512], sizes = [400, 512], strides = [1, 1]} : vector<400x1024xf32> to vector<400x512xf32>
    %add3A_295 = arith.addf %slice3A_293, %slice3A_294 : vector<400x512xf32>
    %slice3A_296 = vector.extract_strided_slice %add3A_295 {offsets = [0, 0], sizes = [400, 256], strides = [1, 1]} : vector<400x512xf32> to vector<400x256xf32>
    %slice3A_297 = vector.extract_strided_slice %add3A_295 {offsets = [0, 256], sizes = [400, 256], strides = [1, 1]} : vector<400x512xf32> to vector<400x256xf32>
    %add3A_298 = arith.addf %slice3A_296, %slice3A_297 : vector<400x256xf32>
    %slice3A_299 = vector.extract_strided_slice %add3A_298 {offsets = [0, 0], sizes = [400, 128], strides = [1, 1]} : vector<400x256xf32> to vector<400x128xf32>
    %slice3A_300 = vector.extract_strided_slice %add3A_298 {offsets = [0, 128], sizes = [400, 128], strides = [1, 1]} : vector<400x256xf32> to vector<400x128xf32>
    %add3A_301 = arith.addf %slice3A_299, %slice3A_300 : vector<400x128xf32>
    %get3A_302 = arith.constant 5 : index
    %get3A_303 = arith.constant 0 : index
    %get3A_304 = memref.load %arg1[%get3A_302, %get3A_303] : memref<16x4xf32, #tpu.memory_space<smem>>
    %sub3A_305 = vector.broadcast %get3A_304 : f32 to vector<400x32xf32>
    %sub3A_306 = arith.subf %sub3A_8, %sub3A_305 : vector<400x32xf32>
    %get3A_307 = arith.constant 5 : index
    %get3A_308 = arith.constant 1 : index
    %get3A_309 = memref.load %arg1[%get3A_307, %get3A_308] : memref<16x4xf32, #tpu.memory_space<smem>>
    %sub3A_310 = vector.broadcast %get3A_309 : f32 to vector<400x32xf32>
    %sub3A_311 = arith.subf %sub3A_16, %sub3A_310 : vector<400x32xf32>
    %get3A_312 = arith.constant 5 : index
    %get3A_313 = arith.constant 2 : index
    %get3A_314 = memref.load %arg1[%get3A_312, %get3A_313] : memref<16x4xf32, #tpu.memory_space<smem>>
    %sub3A_315 = vector.broadcast %get3A_314 : f32 to vector<400x32xf32>
    %sub3A_316 = arith.subf %sub3A_24, %sub3A_315 : vector<400x32xf32>
    %mul3A_317 = arith.mulf %sub3A_306, %sub3A_306 : vector<400x32xf32>
    %mul3A_318 = arith.mulf %sub3A_311, %sub3A_311 : vector<400x32xf32>
    %add3A_319 = arith.addf %mul3A_317, %mul3A_318 : vector<400x32xf32>
    %mul3A_320 = arith.mulf %sub3A_316, %sub3A_316 : vector<400x32xf32>
    %add3A_321 = arith.addf %add3A_319, %mul3A_320 : vector<400x32xf32>
    %sqrt3A_322 = math.sqrt %add3A_321 : vector<400x32xf32>
    %mul3A_323 = arith.constant 0.833333313 : f32
    %mul3A_324 = vector.broadcast %mul3A_323 : f32 to vector<400x32xf32>
    %mul3A_325 = arith.mulf %sqrt3A_322, %mul3A_324 : vector<400x32xf32>
    %sub3A_326 = arith.constant 1.000000e+00 : f32
    %sub3A_327 = vector.broadcast %sub3A_326 : f32 to vector<400x32xf32>
    %sub3A_328 = arith.subf %sub3A_327, %mul3A_325 : vector<400x32xf32>
    %max3A_329 = arith.constant 0.000000e+00 : f32
    %max3A_330 = vector.broadcast %max3A_329 : f32 to vector<400x32xf32>
    %max3A_331 = arith.maximumf %sub3A_328, %max3A_330 : vector<400x32xf32>
    %convert_element_type3A_332 = arith.truncf %max3A_331 : vector<400x32xf32> to vector<400x32xbf16>
    %dot_general3A_333 = arith.constant dense<0.000000e+00> : vector<400x4096xf32>
    %dot_general3A_334 = tpu.matmul %convert_element_type3A_332, %convert_element_type3A_52, %dot_general3A_333 {dimension_numbers = #tpu.dot_dimension_numbers<[1], [0], [0], [1], [0, 0, 1, 1], [], []>, transpose_lhs_hint = false} : vector<400x32xbf16>, vector<32x4096xbf16>, vector<400x4096xf32> -> vector<400x4096xf32>
    %convert_element_type3A_335 = arith.truncf %dot_general3A_334 : vector<400x4096xf32> to vector<400x4096xbf16>
    %mul3A_336 = arith.mulf %convert_element_type3A_335, %convert_element_type3A : vector<400x4096xbf16>
    %slice3A_337 = vector.extract_strided_slice %mul3A_336 {offsets = [0, 0], sizes = [400, 2048], strides = [1, 1]} : vector<400x4096xbf16> to vector<400x2048xbf16>
    %slice3A_338 = vector.extract_strided_slice %mul3A_336 {offsets = [0, 2048], sizes = [400, 2048], strides = [1, 1]} : vector<400x4096xbf16> to vector<400x2048xbf16>
    %add3A_339 = arith.addf %slice3A_337, %slice3A_338 : vector<400x2048xbf16>
    %convert_element_type3A_340 = arith.extf %add3A_339 : vector<400x2048xbf16> to vector<400x2048xf32>
    %slice3A_341 = vector.extract_strided_slice %convert_element_type3A_340 {offsets = [0, 0], sizes = [400, 1024], strides = [1, 1]} : vector<400x2048xf32> to vector<400x1024xf32>
    %slice3A_342 = vector.extract_strided_slice %convert_element_type3A_340 {offsets = [0, 1024], sizes = [400, 1024], strides = [1, 1]} : vector<400x2048xf32> to vector<400x1024xf32>
    %add3A_343 = arith.addf %slice3A_341, %slice3A_342 : vector<400x1024xf32>
    %slice3A_344 = vector.extract_strided_slice %add3A_343 {offsets = [0, 0], sizes = [400, 512], strides = [1, 1]} : vector<400x1024xf32> to vector<400x512xf32>
    %slice3A_345 = vector.extract_strided_slice %add3A_343 {offsets = [0, 512], sizes = [400, 512], strides = [1, 1]} : vector<400x1024xf32> to vector<400x512xf32>
    %add3A_346 = arith.addf %slice3A_344, %slice3A_345 : vector<400x512xf32>
    %slice3A_347 = vector.extract_strided_slice %add3A_346 {offsets = [0, 0], sizes = [400, 256], strides = [1, 1]} : vector<400x512xf32> to vector<400x256xf32>
    %slice3A_348 = vector.extract_strided_slice %add3A_346 {offsets = [0, 256], sizes = [400, 256], strides = [1, 1]} : vector<400x512xf32> to vector<400x256xf32>
    %add3A_349 = arith.addf %slice3A_347, %slice3A_348 : vector<400x256xf32>
    %slice3A_350 = vector.extract_strided_slice %add3A_349 {offsets = [0, 0], sizes = [400, 128], strides = [1, 1]} : vector<400x256xf32> to vector<400x128xf32>
    %slice3A_351 = vector.extract_strided_slice %add3A_349 {offsets = [0, 128], sizes = [400, 128], strides = [1, 1]} : vector<400x256xf32> to vector<400x128xf32>
    %add3A_352 = arith.addf %slice3A_350, %slice3A_351 : vector<400x128xf32>
    %get3A_353 = arith.constant 6 : index
    %get3A_354 = arith.constant 0 : index
    %get3A_355 = memref.load %arg1[%get3A_353, %get3A_354] : memref<16x4xf32, #tpu.memory_space<smem>>
    %sub3A_356 = vector.broadcast %get3A_355 : f32 to vector<400x32xf32>
    %sub3A_357 = arith.subf %sub3A_8, %sub3A_356 : vector<400x32xf32>
    %get3A_358 = arith.constant 6 : index
    %get3A_359 = arith.constant 1 : index
    %get3A_360 = memref.load %arg1[%get3A_358, %get3A_359] : memref<16x4xf32, #tpu.memory_space<smem>>
    %sub3A_361 = vector.broadcast %get3A_360 : f32 to vector<400x32xf32>
    %sub3A_362 = arith.subf %sub3A_16, %sub3A_361 : vector<400x32xf32>
    %get3A_363 = arith.constant 6 : index
    %get3A_364 = arith.constant 2 : index
    %get3A_365 = memref.load %arg1[%get3A_363, %get3A_364] : memref<16x4xf32, #tpu.memory_space<smem>>
    %sub3A_366 = vector.broadcast %get3A_365 : f32 to vector<400x32xf32>
    %sub3A_367 = arith.subf %sub3A_24, %sub3A_366 : vector<400x32xf32>
    %mul3A_368 = arith.mulf %sub3A_357, %sub3A_357 : vector<400x32xf32>
    %mul3A_369 = arith.mulf %sub3A_362, %sub3A_362 : vector<400x32xf32>
    %add3A_370 = arith.addf %mul3A_368, %mul3A_369 : vector<400x32xf32>
    %mul3A_371 = arith.mulf %sub3A_367, %sub3A_367 : vector<400x32xf32>
    %add3A_372 = arith.addf %add3A_370, %mul3A_371 : vector<400x32xf32>
    %sqrt3A_373 = math.sqrt %add3A_372 : vector<400x32xf32>
    %mul3A_374 = arith.constant 0.833333313 : f32
    %mul3A_375 = vector.broadcast %mul3A_374 : f32 to vector<400x32xf32>
    %mul3A_376 = arith.mulf %sqrt3A_373, %mul3A_375 : vector<400x32xf32>
    %sub3A_377 = arith.constant 1.000000e+00 : f32
    %sub3A_378 = vector.broadcast %sub3A_377 : f32 to vector<400x32xf32>
    %sub3A_379 = arith.subf %sub3A_378, %mul3A_376 : vector<400x32xf32>
    %max3A_380 = arith.constant 0.000000e+00 : f32
    %max3A_381 = vector.broadcast %max3A_380 : f32 to vector<400x32xf32>
    %max3A_382 = arith.maximumf %sub3A_379, %max3A_381 : vector<400x32xf32>
    %convert_element_type3A_383 = arith.truncf %max3A_382 : vector<400x32xf32> to vector<400x32xbf16>
    %dot_general3A_384 = arith.constant dense<0.000000e+00> : vector<400x4096xf32>
    %dot_general3A_385 = tpu.matmul %convert_element_type3A_383, %convert_element_type3A_52, %dot_general3A_384 {dimension_numbers = #tpu.dot_dimension_numbers<[1], [0], [0], [1], [0, 0, 1, 1], [], []>, transpose_lhs_hint = false} : vector<400x32xbf16>, vector<32x4096xbf16>, vector<400x4096xf32> -> vector<400x4096xf32>
    %convert_element_type3A_386 = arith.truncf %dot_general3A_385 : vector<400x4096xf32> to vector<400x4096xbf16>
    %mul3A_387 = arith.mulf %convert_element_type3A_386, %convert_element_type3A : vector<400x4096xbf16>
    %slice3A_388 = vector.extract_strided_slice %mul3A_387 {offsets = [0, 0], sizes = [400, 2048], strides = [1, 1]} : vector<400x4096xbf16> to vector<400x2048xbf16>
    %slice3A_389 = vector.extract_strided_slice %mul3A_387 {offsets = [0, 2048], sizes = [400, 2048], strides = [1, 1]} : vector<400x4096xbf16> to vector<400x2048xbf16>
    %add3A_390 = arith.addf %slice3A_388, %slice3A_389 : vector<400x2048xbf16>
    %convert_element_type3A_391 = arith.extf %add3A_390 : vector<400x2048xbf16> to vector<400x2048xf32>
    %slice3A_392 = vector.extract_strided_slice %convert_element_type3A_391 {offsets = [0, 0], sizes = [400, 1024], strides = [1, 1]} : vector<400x2048xf32> to vector<400x1024xf32>
    %slice3A_393 = vector.extract_strided_slice %convert_element_type3A_391 {offsets = [0, 1024], sizes = [400, 1024], strides = [1, 1]} : vector<400x2048xf32> to vector<400x1024xf32>
    %add3A_394 = arith.addf %slice3A_392, %slice3A_393 : vector<400x1024xf32>
    %slice3A_395 = vector.extract_strided_slice %add3A_394 {offsets = [0, 0], sizes = [400, 512], strides = [1, 1]} : vector<400x1024xf32> to vector<400x512xf32>
    %slice3A_396 = vector.extract_strided_slice %add3A_394 {offsets = [0, 512], sizes = [400, 512], strides = [1, 1]} : vector<400x1024xf32> to vector<400x512xf32>
    %add3A_397 = arith.addf %slice3A_395, %slice3A_396 : vector<400x512xf32>
    %slice3A_398 = vector.extract_strided_slice %add3A_397 {offsets = [0, 0], sizes = [400, 256], strides = [1, 1]} : vector<400x512xf32> to vector<400x256xf32>
    %slice3A_399 = vector.extract_strided_slice %add3A_397 {offsets = [0, 256], sizes = [400, 256], strides = [1, 1]} : vector<400x512xf32> to vector<400x256xf32>
    %add3A_400 = arith.addf %slice3A_398, %slice3A_399 : vector<400x256xf32>
    %slice3A_401 = vector.extract_strided_slice %add3A_400 {offsets = [0, 0], sizes = [400, 128], strides = [1, 1]} : vector<400x256xf32> to vector<400x128xf32>
    %slice3A_402 = vector.extract_strided_slice %add3A_400 {offsets = [0, 128], sizes = [400, 128], strides = [1, 1]} : vector<400x256xf32> to vector<400x128xf32>
    %add3A_403 = arith.addf %slice3A_401, %slice3A_402 : vector<400x128xf32>
    %get3A_404 = arith.constant 7 : index
    %get3A_405 = arith.constant 0 : index
    %get3A_406 = memref.load %arg1[%get3A_404, %get3A_405] : memref<16x4xf32, #tpu.memory_space<smem>>
    %sub3A_407 = vector.broadcast %get3A_406 : f32 to vector<400x32xf32>
    %sub3A_408 = arith.subf %sub3A_8, %sub3A_407 : vector<400x32xf32>
    %get3A_409 = arith.constant 7 : index
    %get3A_410 = arith.constant 1 : index
    %get3A_411 = memref.load %arg1[%get3A_409, %get3A_410] : memref<16x4xf32, #tpu.memory_space<smem>>
    %sub3A_412 = vector.broadcast %get3A_411 : f32 to vector<400x32xf32>
    %sub3A_413 = arith.subf %sub3A_16, %sub3A_412 : vector<400x32xf32>
    %get3A_414 = arith.constant 7 : index
    %get3A_415 = arith.constant 2 : index
    %get3A_416 = memref.load %arg1[%get3A_414, %get3A_415] : memref<16x4xf32, #tpu.memory_space<smem>>
    %sub3A_417 = vector.broadcast %get3A_416 : f32 to vector<400x32xf32>
    %sub3A_418 = arith.subf %sub3A_24, %sub3A_417 : vector<400x32xf32>
    %mul3A_419 = arith.mulf %sub3A_408, %sub3A_408 : vector<400x32xf32>
    %mul3A_420 = arith.mulf %sub3A_413, %sub3A_413 : vector<400x32xf32>
    %add3A_421 = arith.addf %mul3A_419, %mul3A_420 : vector<400x32xf32>
    %mul3A_422 = arith.mulf %sub3A_418, %sub3A_418 : vector<400x32xf32>
    %add3A_423 = arith.addf %add3A_421, %mul3A_422 : vector<400x32xf32>
    %sqrt3A_424 = math.sqrt %add3A_423 : vector<400x32xf32>
    %mul3A_425 = arith.constant 0.833333313 : f32
    %mul3A_426 = vector.broadcast %mul3A_425 : f32 to vector<400x32xf32>
    %mul3A_427 = arith.mulf %sqrt3A_424, %mul3A_426 : vector<400x32xf32>
    %sub3A_428 = arith.constant 1.000000e+00 : f32
    %sub3A_429 = vector.broadcast %sub3A_428 : f32 to vector<400x32xf32>
    %sub3A_430 = arith.subf %sub3A_429, %mul3A_427 : vector<400x32xf32>
    %max3A_431 = arith.constant 0.000000e+00 : f32
    %max3A_432 = vector.broadcast %max3A_431 : f32 to vector<400x32xf32>
    %max3A_433 = arith.maximumf %sub3A_430, %max3A_432 : vector<400x32xf32>
    %convert_element_type3A_434 = arith.truncf %max3A_433 : vector<400x32xf32> to vector<400x32xbf16>
    %dot_general3A_435 = arith.constant dense<0.000000e+00> : vector<400x4096xf32>
    %dot_general3A_436 = tpu.matmul %convert_element_type3A_434, %convert_element_type3A_52, %dot_general3A_435 {dimension_numbers = #tpu.dot_dimension_numbers<[1], [0], [0], [1], [0, 0, 1, 1], [], []>, transpose_lhs_hint = false} : vector<400x32xbf16>, vector<32x4096xbf16>, vector<400x4096xf32> -> vector<400x4096xf32>
    %convert_element_type3A_437 = arith.truncf %dot_general3A_436 : vector<400x4096xf32> to vector<400x4096xbf16>
    %mul3A_438 = arith.mulf %convert_element_type3A_437, %convert_element_type3A : vector<400x4096xbf16>
    %slice3A_439 = vector.extract_strided_slice %mul3A_438 {offsets = [0, 0], sizes = [400, 2048], strides = [1, 1]} : vector<400x4096xbf16> to vector<400x2048xbf16>
    %slice3A_440 = vector.extract_strided_slice %mul3A_438 {offsets = [0, 2048], sizes = [400, 2048], strides = [1, 1]} : vector<400x4096xbf16> to vector<400x2048xbf16>
    %add3A_441 = arith.addf %slice3A_439, %slice3A_440 : vector<400x2048xbf16>
    %convert_element_type3A_442 = arith.extf %add3A_441 : vector<400x2048xbf16> to vector<400x2048xf32>
    %slice3A_443 = vector.extract_strided_slice %convert_element_type3A_442 {offsets = [0, 0], sizes = [400, 1024], strides = [1, 1]} : vector<400x2048xf32> to vector<400x1024xf32>
    %slice3A_444 = vector.extract_strided_slice %convert_element_type3A_442 {offsets = [0, 1024], sizes = [400, 1024], strides = [1, 1]} : vector<400x2048xf32> to vector<400x1024xf32>
    %add3A_445 = arith.addf %slice3A_443, %slice3A_444 : vector<400x1024xf32>
    %slice3A_446 = vector.extract_strided_slice %add3A_445 {offsets = [0, 0], sizes = [400, 512], strides = [1, 1]} : vector<400x1024xf32> to vector<400x512xf32>
    %slice3A_447 = vector.extract_strided_slice %add3A_445 {offsets = [0, 512], sizes = [400, 512], strides = [1, 1]} : vector<400x1024xf32> to vector<400x512xf32>
    %add3A_448 = arith.addf %slice3A_446, %slice3A_447 : vector<400x512xf32>
    %slice3A_449 = vector.extract_strided_slice %add3A_448 {offsets = [0, 0], sizes = [400, 256], strides = [1, 1]} : vector<400x512xf32> to vector<400x256xf32>
    %slice3A_450 = vector.extract_strided_slice %add3A_448 {offsets = [0, 256], sizes = [400, 256], strides = [1, 1]} : vector<400x512xf32> to vector<400x256xf32>
    %add3A_451 = arith.addf %slice3A_449, %slice3A_450 : vector<400x256xf32>
    %slice3A_452 = vector.extract_strided_slice %add3A_451 {offsets = [0, 0], sizes = [400, 128], strides = [1, 1]} : vector<400x256xf32> to vector<400x128xf32>
    %slice3A_453 = vector.extract_strided_slice %add3A_451 {offsets = [0, 128], sizes = [400, 128], strides = [1, 1]} : vector<400x256xf32> to vector<400x128xf32>
    %add3A_454 = arith.addf %slice3A_452, %slice3A_453 : vector<400x128xf32>
    %get3A_455 = arith.constant 8 : index
    %get3A_456 = arith.constant 0 : index
    %get3A_457 = memref.load %arg1[%get3A_455, %get3A_456] : memref<16x4xf32, #tpu.memory_space<smem>>
    %sub3A_458 = vector.broadcast %get3A_457 : f32 to vector<400x32xf32>
    %sub3A_459 = arith.subf %sub3A_8, %sub3A_458 : vector<400x32xf32>
    %get3A_460 = arith.constant 8 : index
    %get3A_461 = arith.constant 1 : index
    %get3A_462 = memref.load %arg1[%get3A_460, %get3A_461] : memref<16x4xf32, #tpu.memory_space<smem>>
    %sub3A_463 = vector.broadcast %get3A_462 : f32 to vector<400x32xf32>
    %sub3A_464 = arith.subf %sub3A_16, %sub3A_463 : vector<400x32xf32>
    %get3A_465 = arith.constant 8 : index
    %get3A_466 = arith.constant 2 : index
    %get3A_467 = memref.load %arg1[%get3A_465, %get3A_466] : memref<16x4xf32, #tpu.memory_space<smem>>
    %sub3A_468 = vector.broadcast %get3A_467 : f32 to vector<400x32xf32>
    %sub3A_469 = arith.subf %sub3A_24, %sub3A_468 : vector<400x32xf32>
    %mul3A_470 = arith.mulf %sub3A_459, %sub3A_459 : vector<400x32xf32>
    %mul3A_471 = arith.mulf %sub3A_464, %sub3A_464 : vector<400x32xf32>
    %add3A_472 = arith.addf %mul3A_470, %mul3A_471 : vector<400x32xf32>
    %mul3A_473 = arith.mulf %sub3A_469, %sub3A_469 : vector<400x32xf32>
    %add3A_474 = arith.addf %add3A_472, %mul3A_473 : vector<400x32xf32>
    %sqrt3A_475 = math.sqrt %add3A_474 : vector<400x32xf32>
    %mul3A_476 = arith.constant 0.833333313 : f32
    %mul3A_477 = vector.broadcast %mul3A_476 : f32 to vector<400x32xf32>
    %mul3A_478 = arith.mulf %sqrt3A_475, %mul3A_477 : vector<400x32xf32>
    %sub3A_479 = arith.constant 1.000000e+00 : f32
    %sub3A_480 = vector.broadcast %sub3A_479 : f32 to vector<400x32xf32>
    %sub3A_481 = arith.subf %sub3A_480, %mul3A_478 : vector<400x32xf32>
    %max3A_482 = arith.constant 0.000000e+00 : f32
    %max3A_483 = vector.broadcast %max3A_482 : f32 to vector<400x32xf32>
    %max3A_484 = arith.maximumf %sub3A_481, %max3A_483 : vector<400x32xf32>
    %convert_element_type3A_485 = arith.truncf %max3A_484 : vector<400x32xf32> to vector<400x32xbf16>
    %dot_general3A_486 = arith.constant dense<0.000000e+00> : vector<400x4096xf32>
    %dot_general3A_487 = tpu.matmul %convert_element_type3A_485, %convert_element_type3A_52, %dot_general3A_486 {dimension_numbers = #tpu.dot_dimension_numbers<[1], [0], [0], [1], [0, 0, 1, 1], [], []>, transpose_lhs_hint = false} : vector<400x32xbf16>, vector<32x4096xbf16>, vector<400x4096xf32> -> vector<400x4096xf32>
    %convert_element_type3A_488 = arith.truncf %dot_general3A_487 : vector<400x4096xf32> to vector<400x4096xbf16>
    %mul3A_489 = arith.mulf %convert_element_type3A_488, %convert_element_type3A : vector<400x4096xbf16>
    %slice3A_490 = vector.extract_strided_slice %mul3A_489 {offsets = [0, 0], sizes = [400, 2048], strides = [1, 1]} : vector<400x4096xbf16> to vector<400x2048xbf16>
    %slice3A_491 = vector.extract_strided_slice %mul3A_489 {offsets = [0, 2048], sizes = [400, 2048], strides = [1, 1]} : vector<400x4096xbf16> to vector<400x2048xbf16>
    %add3A_492 = arith.addf %slice3A_490, %slice3A_491 : vector<400x2048xbf16>
    %convert_element_type3A_493 = arith.extf %add3A_492 : vector<400x2048xbf16> to vector<400x2048xf32>
    %slice3A_494 = vector.extract_strided_slice %convert_element_type3A_493 {offsets = [0, 0], sizes = [400, 1024], strides = [1, 1]} : vector<400x2048xf32> to vector<400x1024xf32>
    %slice3A_495 = vector.extract_strided_slice %convert_element_type3A_493 {offsets = [0, 1024], sizes = [400, 1024], strides = [1, 1]} : vector<400x2048xf32> to vector<400x1024xf32>
    %add3A_496 = arith.addf %slice3A_494, %slice3A_495 : vector<400x1024xf32>
    %slice3A_497 = vector.extract_strided_slice %add3A_496 {offsets = [0, 0], sizes = [400, 512], strides = [1, 1]} : vector<400x1024xf32> to vector<400x512xf32>
    %slice3A_498 = vector.extract_strided_slice %add3A_496 {offsets = [0, 512], sizes = [400, 512], strides = [1, 1]} : vector<400x1024xf32> to vector<400x512xf32>
    %add3A_499 = arith.addf %slice3A_497, %slice3A_498 : vector<400x512xf32>
    %slice3A_500 = vector.extract_strided_slice %add3A_499 {offsets = [0, 0], sizes = [400, 256], strides = [1, 1]} : vector<400x512xf32> to vector<400x256xf32>
    %slice3A_501 = vector.extract_strided_slice %add3A_499 {offsets = [0, 256], sizes = [400, 256], strides = [1, 1]} : vector<400x512xf32> to vector<400x256xf32>
    %add3A_502 = arith.addf %slice3A_500, %slice3A_501 : vector<400x256xf32>
    %slice3A_503 = vector.extract_strided_slice %add3A_502 {offsets = [0, 0], sizes = [400, 128], strides = [1, 1]} : vector<400x256xf32> to vector<400x128xf32>
    %slice3A_504 = vector.extract_strided_slice %add3A_502 {offsets = [0, 128], sizes = [400, 128], strides = [1, 1]} : vector<400x256xf32> to vector<400x128xf32>
    %add3A_505 = arith.addf %slice3A_503, %slice3A_504 : vector<400x128xf32>
    %get3A_506 = arith.constant 9 : index
    %get3A_507 = arith.constant 0 : index
    %get3A_508 = memref.load %arg1[%get3A_506, %get3A_507] : memref<16x4xf32, #tpu.memory_space<smem>>
    %sub3A_509 = vector.broadcast %get3A_508 : f32 to vector<400x32xf32>
    %sub3A_510 = arith.subf %sub3A_8, %sub3A_509 : vector<400x32xf32>
    %get3A_511 = arith.constant 9 : index
    %get3A_512 = arith.constant 1 : index
    %get3A_513 = memref.load %arg1[%get3A_511, %get3A_512] : memref<16x4xf32, #tpu.memory_space<smem>>
    %sub3A_514 = vector.broadcast %get3A_513 : f32 to vector<400x32xf32>
    %sub3A_515 = arith.subf %sub3A_16, %sub3A_514 : vector<400x32xf32>
    %get3A_516 = arith.constant 9 : index
    %get3A_517 = arith.constant 2 : index
    %get3A_518 = memref.load %arg1[%get3A_516, %get3A_517] : memref<16x4xf32, #tpu.memory_space<smem>>
    %sub3A_519 = vector.broadcast %get3A_518 : f32 to vector<400x32xf32>
    %sub3A_520 = arith.subf %sub3A_24, %sub3A_519 : vector<400x32xf32>
    %mul3A_521 = arith.mulf %sub3A_510, %sub3A_510 : vector<400x32xf32>
    %mul3A_522 = arith.mulf %sub3A_515, %sub3A_515 : vector<400x32xf32>
    %add3A_523 = arith.addf %mul3A_521, %mul3A_522 : vector<400x32xf32>
    %mul3A_524 = arith.mulf %sub3A_520, %sub3A_520 : vector<400x32xf32>
    %add3A_525 = arith.addf %add3A_523, %mul3A_524 : vector<400x32xf32>
    %sqrt3A_526 = math.sqrt %add3A_525 : vector<400x32xf32>
    %mul3A_527 = arith.constant 0.833333313 : f32
    %mul3A_528 = vector.broadcast %mul3A_527 : f32 to vector<400x32xf32>
    %mul3A_529 = arith.mulf %sqrt3A_526, %mul3A_528 : vector<400x32xf32>
    %sub3A_530 = arith.constant 1.000000e+00 : f32
    %sub3A_531 = vector.broadcast %sub3A_530 : f32 to vector<400x32xf32>
    %sub3A_532 = arith.subf %sub3A_531, %mul3A_529 : vector<400x32xf32>
    %max3A_533 = arith.constant 0.000000e+00 : f32
    %max3A_534 = vector.broadcast %max3A_533 : f32 to vector<400x32xf32>
    %max3A_535 = arith.maximumf %sub3A_532, %max3A_534 : vector<400x32xf32>
    %convert_element_type3A_536 = arith.truncf %max3A_535 : vector<400x32xf32> to vector<400x32xbf16>
    %dot_general3A_537 = arith.constant dense<0.000000e+00> : vector<400x4096xf32>
    %dot_general3A_538 = tpu.matmul %convert_element_type3A_536, %convert_element_type3A_52, %dot_general3A_537 {dimension_numbers = #tpu.dot_dimension_numbers<[1], [0], [0], [1], [0, 0, 1, 1], [], []>, transpose_lhs_hint = false} : vector<400x32xbf16>, vector<32x4096xbf16>, vector<400x4096xf32> -> vector<400x4096xf32>
    %convert_element_type3A_539 = arith.truncf %dot_general3A_538 : vector<400x4096xf32> to vector<400x4096xbf16>
    %mul3A_540 = arith.mulf %convert_element_type3A_539, %convert_element_type3A : vector<400x4096xbf16>
    %slice3A_541 = vector.extract_strided_slice %mul3A_540 {offsets = [0, 0], sizes = [400, 2048], strides = [1, 1]} : vector<400x4096xbf16> to vector<400x2048xbf16>
    %slice3A_542 = vector.extract_strided_slice %mul3A_540 {offsets = [0, 2048], sizes = [400, 2048], strides = [1, 1]} : vector<400x4096xbf16> to vector<400x2048xbf16>
    %add3A_543 = arith.addf %slice3A_541, %slice3A_542 : vector<400x2048xbf16>
    %convert_element_type3A_544 = arith.extf %add3A_543 : vector<400x2048xbf16> to vector<400x2048xf32>
    %slice3A_545 = vector.extract_strided_slice %convert_element_type3A_544 {offsets = [0, 0], sizes = [400, 1024], strides = [1, 1]} : vector<400x2048xf32> to vector<400x1024xf32>
    %slice3A_546 = vector.extract_strided_slice %convert_element_type3A_544 {offsets = [0, 1024], sizes = [400, 1024], strides = [1, 1]} : vector<400x2048xf32> to vector<400x1024xf32>
    %add3A_547 = arith.addf %slice3A_545, %slice3A_546 : vector<400x1024xf32>
    %slice3A_548 = vector.extract_strided_slice %add3A_547 {offsets = [0, 0], sizes = [400, 512], strides = [1, 1]} : vector<400x1024xf32> to vector<400x512xf32>
    %slice3A_549 = vector.extract_strided_slice %add3A_547 {offsets = [0, 512], sizes = [400, 512], strides = [1, 1]} : vector<400x1024xf32> to vector<400x512xf32>
    %add3A_550 = arith.addf %slice3A_548, %slice3A_549 : vector<400x512xf32>
    %slice3A_551 = vector.extract_strided_slice %add3A_550 {offsets = [0, 0], sizes = [400, 256], strides = [1, 1]} : vector<400x512xf32> to vector<400x256xf32>
    %slice3A_552 = vector.extract_strided_slice %add3A_550 {offsets = [0, 256], sizes = [400, 256], strides = [1, 1]} : vector<400x512xf32> to vector<400x256xf32>
    %add3A_553 = arith.addf %slice3A_551, %slice3A_552 : vector<400x256xf32>
    %slice3A_554 = vector.extract_strided_slice %add3A_553 {offsets = [0, 0], sizes = [400, 128], strides = [1, 1]} : vector<400x256xf32> to vector<400x128xf32>
    %slice3A_555 = vector.extract_strided_slice %add3A_553 {offsets = [0, 128], sizes = [400, 128], strides = [1, 1]} : vector<400x256xf32> to vector<400x128xf32>
    %add3A_556 = arith.addf %slice3A_554, %slice3A_555 : vector<400x128xf32>
    %get3A_557 = arith.constant 10 : index
    %get3A_558 = arith.constant 0 : index
    %get3A_559 = memref.load %arg1[%get3A_557, %get3A_558] : memref<16x4xf32, #tpu.memory_space<smem>>
    %sub3A_560 = vector.broadcast %get3A_559 : f32 to vector<400x32xf32>
    %sub3A_561 = arith.subf %sub3A_8, %sub3A_560 : vector<400x32xf32>
    %get3A_562 = arith.constant 10 : index
    %get3A_563 = arith.constant 1 : index
    %get3A_564 = memref.load %arg1[%get3A_562, %get3A_563] : memref<16x4xf32, #tpu.memory_space<smem>>
    %sub3A_565 = vector.broadcast %get3A_564 : f32 to vector<400x32xf32>
    %sub3A_566 = arith.subf %sub3A_16, %sub3A_565 : vector<400x32xf32>
    %get3A_567 = arith.constant 10 : index
    %get3A_568 = arith.constant 2 : index
    %get3A_569 = memref.load %arg1[%get3A_567, %get3A_568] : memref<16x4xf32, #tpu.memory_space<smem>>
    %sub3A_570 = vector.broadcast %get3A_569 : f32 to vector<400x32xf32>
    %sub3A_571 = arith.subf %sub3A_24, %sub3A_570 : vector<400x32xf32>
    %mul3A_572 = arith.mulf %sub3A_561, %sub3A_561 : vector<400x32xf32>
    %mul3A_573 = arith.mulf %sub3A_566, %sub3A_566 : vector<400x32xf32>
    %add3A_574 = arith.addf %mul3A_572, %mul3A_573 : vector<400x32xf32>
    %mul3A_575 = arith.mulf %sub3A_571, %sub3A_571 : vector<400x32xf32>
    %add3A_576 = arith.addf %add3A_574, %mul3A_575 : vector<400x32xf32>
    %sqrt3A_577 = math.sqrt %add3A_576 : vector<400x32xf32>
    %mul3A_578 = arith.constant 0.833333313 : f32
    %mul3A_579 = vector.broadcast %mul3A_578 : f32 to vector<400x32xf32>
    %mul3A_580 = arith.mulf %sqrt3A_577, %mul3A_579 : vector<400x32xf32>
    %sub3A_581 = arith.constant 1.000000e+00 : f32
    %sub3A_582 = vector.broadcast %sub3A_581 : f32 to vector<400x32xf32>
    %sub3A_583 = arith.subf %sub3A_582, %mul3A_580 : vector<400x32xf32>
    %max3A_584 = arith.constant 0.000000e+00 : f32
    %max3A_585 = vector.broadcast %max3A_584 : f32 to vector<400x32xf32>
    %max3A_586 = arith.maximumf %sub3A_583, %max3A_585 : vector<400x32xf32>
    %convert_element_type3A_587 = arith.truncf %max3A_586 : vector<400x32xf32> to vector<400x32xbf16>
    %dot_general3A_588 = arith.constant dense<0.000000e+00> : vector<400x4096xf32>
    %dot_general3A_589 = tpu.matmul %convert_element_type3A_587, %convert_element_type3A_52, %dot_general3A_588 {dimension_numbers = #tpu.dot_dimension_numbers<[1], [0], [0], [1], [0, 0, 1, 1], [], []>, transpose_lhs_hint = false} : vector<400x32xbf16>, vector<32x4096xbf16>, vector<400x4096xf32> -> vector<400x4096xf32>
    %convert_element_type3A_590 = arith.truncf %dot_general3A_589 : vector<400x4096xf32> to vector<400x4096xbf16>
    %mul3A_591 = arith.mulf %convert_element_type3A_590, %convert_element_type3A : vector<400x4096xbf16>
    %slice3A_592 = vector.extract_strided_slice %mul3A_591 {offsets = [0, 0], sizes = [400, 2048], strides = [1, 1]} : vector<400x4096xbf16> to vector<400x2048xbf16>
    %slice3A_593 = vector.extract_strided_slice %mul3A_591 {offsets = [0, 2048], sizes = [400, 2048], strides = [1, 1]} : vector<400x4096xbf16> to vector<400x2048xbf16>
    %add3A_594 = arith.addf %slice3A_592, %slice3A_593 : vector<400x2048xbf16>
    %convert_element_type3A_595 = arith.extf %add3A_594 : vector<400x2048xbf16> to vector<400x2048xf32>
    %slice3A_596 = vector.extract_strided_slice %convert_element_type3A_595 {offsets = [0, 0], sizes = [400, 1024], strides = [1, 1]} : vector<400x2048xf32> to vector<400x1024xf32>
    %slice3A_597 = vector.extract_strided_slice %convert_element_type3A_595 {offsets = [0, 1024], sizes = [400, 1024], strides = [1, 1]} : vector<400x2048xf32> to vector<400x1024xf32>
    %add3A_598 = arith.addf %slice3A_596, %slice3A_597 : vector<400x1024xf32>
    %slice3A_599 = vector.extract_strided_slice %add3A_598 {offsets = [0, 0], sizes = [400, 512], strides = [1, 1]} : vector<400x1024xf32> to vector<400x512xf32>
    %slice3A_600 = vector.extract_strided_slice %add3A_598 {offsets = [0, 512], sizes = [400, 512], strides = [1, 1]} : vector<400x1024xf32> to vector<400x512xf32>
    %add3A_601 = arith.addf %slice3A_599, %slice3A_600 : vector<400x512xf32>
    %slice3A_602 = vector.extract_strided_slice %add3A_601 {offsets = [0, 0], sizes = [400, 256], strides = [1, 1]} : vector<400x512xf32> to vector<400x256xf32>
    %slice3A_603 = vector.extract_strided_slice %add3A_601 {offsets = [0, 256], sizes = [400, 256], strides = [1, 1]} : vector<400x512xf32> to vector<400x256xf32>
    %add3A_604 = arith.addf %slice3A_602, %slice3A_603 : vector<400x256xf32>
    %slice3A_605 = vector.extract_strided_slice %add3A_604 {offsets = [0, 0], sizes = [400, 128], strides = [1, 1]} : vector<400x256xf32> to vector<400x128xf32>
    %slice3A_606 = vector.extract_strided_slice %add3A_604 {offsets = [0, 128], sizes = [400, 128], strides = [1, 1]} : vector<400x256xf32> to vector<400x128xf32>
    %add3A_607 = arith.addf %slice3A_605, %slice3A_606 : vector<400x128xf32>
    %get3A_608 = arith.constant 11 : index
    %get3A_609 = arith.constant 0 : index
    %get3A_610 = memref.load %arg1[%get3A_608, %get3A_609] : memref<16x4xf32, #tpu.memory_space<smem>>
    %sub3A_611 = vector.broadcast %get3A_610 : f32 to vector<400x32xf32>
    %sub3A_612 = arith.subf %sub3A_8, %sub3A_611 : vector<400x32xf32>
    %get3A_613 = arith.constant 11 : index
    %get3A_614 = arith.constant 1 : index
    %get3A_615 = memref.load %arg1[%get3A_613, %get3A_614] : memref<16x4xf32, #tpu.memory_space<smem>>
    %sub3A_616 = vector.broadcast %get3A_615 : f32 to vector<400x32xf32>
    %sub3A_617 = arith.subf %sub3A_16, %sub3A_616 : vector<400x32xf32>
    %get3A_618 = arith.constant 11 : index
    %get3A_619 = arith.constant 2 : index
    %get3A_620 = memref.load %arg1[%get3A_618, %get3A_619] : memref<16x4xf32, #tpu.memory_space<smem>>
    %sub3A_621 = vector.broadcast %get3A_620 : f32 to vector<400x32xf32>
    %sub3A_622 = arith.subf %sub3A_24, %sub3A_621 : vector<400x32xf32>
    %mul3A_623 = arith.mulf %sub3A_612, %sub3A_612 : vector<400x32xf32>
    %mul3A_624 = arith.mulf %sub3A_617, %sub3A_617 : vector<400x32xf32>
    %add3A_625 = arith.addf %mul3A_623, %mul3A_624 : vector<400x32xf32>
    %mul3A_626 = arith.mulf %sub3A_622, %sub3A_622 : vector<400x32xf32>
    %add3A_627 = arith.addf %add3A_625, %mul3A_626 : vector<400x32xf32>
    %sqrt3A_628 = math.sqrt %add3A_627 : vector<400x32xf32>
    %mul3A_629 = arith.constant 0.833333313 : f32
    %mul3A_630 = vector.broadcast %mul3A_629 : f32 to vector<400x32xf32>
    %mul3A_631 = arith.mulf %sqrt3A_628, %mul3A_630 : vector<400x32xf32>
    %sub3A_632 = arith.constant 1.000000e+00 : f32
    %sub3A_633 = vector.broadcast %sub3A_632 : f32 to vector<400x32xf32>
    %sub3A_634 = arith.subf %sub3A_633, %mul3A_631 : vector<400x32xf32>
    %max3A_635 = arith.constant 0.000000e+00 : f32
    %max3A_636 = vector.broadcast %max3A_635 : f32 to vector<400x32xf32>
    %max3A_637 = arith.maximumf %sub3A_634, %max3A_636 : vector<400x32xf32>
    %convert_element_type3A_638 = arith.truncf %max3A_637 : vector<400x32xf32> to vector<400x32xbf16>
    %dot_general3A_639 = arith.constant dense<0.000000e+00> : vector<400x4096xf32>
    %dot_general3A_640 = tpu.matmul %convert_element_type3A_638, %convert_element_type3A_52, %dot_general3A_639 {dimension_numbers = #tpu.dot_dimension_numbers<[1], [0], [0], [1], [0, 0, 1, 1], [], []>, transpose_lhs_hint = false} : vector<400x32xbf16>, vector<32x4096xbf16>, vector<400x4096xf32> -> vector<400x4096xf32>
    %convert_element_type3A_641 = arith.truncf %dot_general3A_640 : vector<400x4096xf32> to vector<400x4096xbf16>
    %mul3A_642 = arith.mulf %convert_element_type3A_641, %convert_element_type3A : vector<400x4096xbf16>
    %slice3A_643 = vector.extract_strided_slice %mul3A_642 {offsets = [0, 0], sizes = [400, 2048], strides = [1, 1]} : vector<400x4096xbf16> to vector<400x2048xbf16>
    %slice3A_644 = vector.extract_strided_slice %mul3A_642 {offsets = [0, 2048], sizes = [400, 2048], strides = [1, 1]} : vector<400x4096xbf16> to vector<400x2048xbf16>
    %add3A_645 = arith.addf %slice3A_643, %slice3A_644 : vector<400x2048xbf16>
    %convert_element_type3A_646 = arith.extf %add3A_645 : vector<400x2048xbf16> to vector<400x2048xf32>
    %slice3A_647 = vector.extract_strided_slice %convert_element_type3A_646 {offsets = [0, 0], sizes = [400, 1024], strides = [1, 1]} : vector<400x2048xf32> to vector<400x1024xf32>
    %slice3A_648 = vector.extract_strided_slice %convert_element_type3A_646 {offsets = [0, 1024], sizes = [400, 1024], strides = [1, 1]} : vector<400x2048xf32> to vector<400x1024xf32>
    %add3A_649 = arith.addf %slice3A_647, %slice3A_648 : vector<400x1024xf32>
    %slice3A_650 = vector.extract_strided_slice %add3A_649 {offsets = [0, 0], sizes = [400, 512], strides = [1, 1]} : vector<400x1024xf32> to vector<400x512xf32>
    %slice3A_651 = vector.extract_strided_slice %add3A_649 {offsets = [0, 512], sizes = [400, 512], strides = [1, 1]} : vector<400x1024xf32> to vector<400x512xf32>
    %add3A_652 = arith.addf %slice3A_650, %slice3A_651 : vector<400x512xf32>
    %slice3A_653 = vector.extract_strided_slice %add3A_652 {offsets = [0, 0], sizes = [400, 256], strides = [1, 1]} : vector<400x512xf32> to vector<400x256xf32>
    %slice3A_654 = vector.extract_strided_slice %add3A_652 {offsets = [0, 256], sizes = [400, 256], strides = [1, 1]} : vector<400x512xf32> to vector<400x256xf32>
    %add3A_655 = arith.addf %slice3A_653, %slice3A_654 : vector<400x256xf32>
    %slice3A_656 = vector.extract_strided_slice %add3A_655 {offsets = [0, 0], sizes = [400, 128], strides = [1, 1]} : vector<400x256xf32> to vector<400x128xf32>
    %slice3A_657 = vector.extract_strided_slice %add3A_655 {offsets = [0, 128], sizes = [400, 128], strides = [1, 1]} : vector<400x256xf32> to vector<400x128xf32>
    %add3A_658 = arith.addf %slice3A_656, %slice3A_657 : vector<400x128xf32>
    %get3A_659 = arith.constant 12 : index
    %get3A_660 = arith.constant 0 : index
    %get3A_661 = memref.load %arg1[%get3A_659, %get3A_660] : memref<16x4xf32, #tpu.memory_space<smem>>
    %sub3A_662 = vector.broadcast %get3A_661 : f32 to vector<400x32xf32>
    %sub3A_663 = arith.subf %sub3A_8, %sub3A_662 : vector<400x32xf32>
    %get3A_664 = arith.constant 12 : index
    %get3A_665 = arith.constant 1 : index
    %get3A_666 = memref.load %arg1[%get3A_664, %get3A_665] : memref<16x4xf32, #tpu.memory_space<smem>>
    %sub3A_667 = vector.broadcast %get3A_666 : f32 to vector<400x32xf32>
    %sub3A_668 = arith.subf %sub3A_16, %sub3A_667 : vector<400x32xf32>
    %get3A_669 = arith.constant 12 : index
    %get3A_670 = arith.constant 2 : index
    %get3A_671 = memref.load %arg1[%get3A_669, %get3A_670] : memref<16x4xf32, #tpu.memory_space<smem>>
    %sub3A_672 = vector.broadcast %get3A_671 : f32 to vector<400x32xf32>
    %sub3A_673 = arith.subf %sub3A_24, %sub3A_672 : vector<400x32xf32>
    %mul3A_674 = arith.mulf %sub3A_663, %sub3A_663 : vector<400x32xf32>
    %mul3A_675 = arith.mulf %sub3A_668, %sub3A_668 : vector<400x32xf32>
    %add3A_676 = arith.addf %mul3A_674, %mul3A_675 : vector<400x32xf32>
    %mul3A_677 = arith.mulf %sub3A_673, %sub3A_673 : vector<400x32xf32>
    %add3A_678 = arith.addf %add3A_676, %mul3A_677 : vector<400x32xf32>
    %sqrt3A_679 = math.sqrt %add3A_678 : vector<400x32xf32>
    %mul3A_680 = arith.constant 0.833333313 : f32
    %mul3A_681 = vector.broadcast %mul3A_680 : f32 to vector<400x32xf32>
    %mul3A_682 = arith.mulf %sqrt3A_679, %mul3A_681 : vector<400x32xf32>
    %sub3A_683 = arith.constant 1.000000e+00 : f32
    %sub3A_684 = vector.broadcast %sub3A_683 : f32 to vector<400x32xf32>
    %sub3A_685 = arith.subf %sub3A_684, %mul3A_682 : vector<400x32xf32>
    %max3A_686 = arith.constant 0.000000e+00 : f32
    %max3A_687 = vector.broadcast %max3A_686 : f32 to vector<400x32xf32>
    %max3A_688 = arith.maximumf %sub3A_685, %max3A_687 : vector<400x32xf32>
    %convert_element_type3A_689 = arith.truncf %max3A_688 : vector<400x32xf32> to vector<400x32xbf16>
    %dot_general3A_690 = arith.constant dense<0.000000e+00> : vector<400x4096xf32>
    %dot_general3A_691 = tpu.matmul %convert_element_type3A_689, %convert_element_type3A_52, %dot_general3A_690 {dimension_numbers = #tpu.dot_dimension_numbers<[1], [0], [0], [1], [0, 0, 1, 1], [], []>, transpose_lhs_hint = false} : vector<400x32xbf16>, vector<32x4096xbf16>, vector<400x4096xf32> -> vector<400x4096xf32>
    %convert_element_type3A_692 = arith.truncf %dot_general3A_691 : vector<400x4096xf32> to vector<400x4096xbf16>
    %mul3A_693 = arith.mulf %convert_element_type3A_692, %convert_element_type3A : vector<400x4096xbf16>
    %slice3A_694 = vector.extract_strided_slice %mul3A_693 {offsets = [0, 0], sizes = [400, 2048], strides = [1, 1]} : vector<400x4096xbf16> to vector<400x2048xbf16>
    %slice3A_695 = vector.extract_strided_slice %mul3A_693 {offsets = [0, 2048], sizes = [400, 2048], strides = [1, 1]} : vector<400x4096xbf16> to vector<400x2048xbf16>
    %add3A_696 = arith.addf %slice3A_694, %slice3A_695 : vector<400x2048xbf16>
    %convert_element_type3A_697 = arith.extf %add3A_696 : vector<400x2048xbf16> to vector<400x2048xf32>
    %slice3A_698 = vector.extract_strided_slice %convert_element_type3A_697 {offsets = [0, 0], sizes = [400, 1024], strides = [1, 1]} : vector<400x2048xf32> to vector<400x1024xf32>
    %slice3A_699 = vector.extract_strided_slice %convert_element_type3A_697 {offsets = [0, 1024], sizes = [400, 1024], strides = [1, 1]} : vector<400x2048xf32> to vector<400x1024xf32>
    %add3A_700 = arith.addf %slice3A_698, %slice3A_699 : vector<400x1024xf32>
    %slice3A_701 = vector.extract_strided_slice %add3A_700 {offsets = [0, 0], sizes = [400, 512], strides = [1, 1]} : vector<400x1024xf32> to vector<400x512xf32>
    %slice3A_702 = vector.extract_strided_slice %add3A_700 {offsets = [0, 512], sizes = [400, 512], strides = [1, 1]} : vector<400x1024xf32> to vector<400x512xf32>
    %add3A_703 = arith.addf %slice3A_701, %slice3A_702 : vector<400x512xf32>
    %slice3A_704 = vector.extract_strided_slice %add3A_703 {offsets = [0, 0], sizes = [400, 256], strides = [1, 1]} : vector<400x512xf32> to vector<400x256xf32>
    %slice3A_705 = vector.extract_strided_slice %add3A_703 {offsets = [0, 256], sizes = [400, 256], strides = [1, 1]} : vector<400x512xf32> to vector<400x256xf32>
    %add3A_706 = arith.addf %slice3A_704, %slice3A_705 : vector<400x256xf32>
    %slice3A_707 = vector.extract_strided_slice %add3A_706 {offsets = [0, 0], sizes = [400, 128], strides = [1, 1]} : vector<400x256xf32> to vector<400x128xf32>
    %slice3A_708 = vector.extract_strided_slice %add3A_706 {offsets = [0, 128], sizes = [400, 128], strides = [1, 1]} : vector<400x256xf32> to vector<400x128xf32>
    %add3A_709 = arith.addf %slice3A_707, %slice3A_708 : vector<400x128xf32>
    %get3A_710 = arith.constant 13 : index
    %get3A_711 = arith.constant 0 : index
    %get3A_712 = memref.load %arg1[%get3A_710, %get3A_711] : memref<16x4xf32, #tpu.memory_space<smem>>
    %sub3A_713 = vector.broadcast %get3A_712 : f32 to vector<400x32xf32>
    %sub3A_714 = arith.subf %sub3A_8, %sub3A_713 : vector<400x32xf32>
    %get3A_715 = arith.constant 13 : index
    %get3A_716 = arith.constant 1 : index
    %get3A_717 = memref.load %arg1[%get3A_715, %get3A_716] : memref<16x4xf32, #tpu.memory_space<smem>>
    %sub3A_718 = vector.broadcast %get3A_717 : f32 to vector<400x32xf32>
    %sub3A_719 = arith.subf %sub3A_16, %sub3A_718 : vector<400x32xf32>
    %get3A_720 = arith.constant 13 : index
    %get3A_721 = arith.constant 2 : index
    %get3A_722 = memref.load %arg1[%get3A_720, %get3A_721] : memref<16x4xf32, #tpu.memory_space<smem>>
    %sub3A_723 = vector.broadcast %get3A_722 : f32 to vector<400x32xf32>
    %sub3A_724 = arith.subf %sub3A_24, %sub3A_723 : vector<400x32xf32>
    %mul3A_725 = arith.mulf %sub3A_714, %sub3A_714 : vector<400x32xf32>
    %mul3A_726 = arith.mulf %sub3A_719, %sub3A_719 : vector<400x32xf32>
    %add3A_727 = arith.addf %mul3A_725, %mul3A_726 : vector<400x32xf32>
    %mul3A_728 = arith.mulf %sub3A_724, %sub3A_724 : vector<400x32xf32>
    %add3A_729 = arith.addf %add3A_727, %mul3A_728 : vector<400x32xf32>
    %sqrt3A_730 = math.sqrt %add3A_729 : vector<400x32xf32>
    %mul3A_731 = arith.constant 0.833333313 : f32
    %mul3A_732 = vector.broadcast %mul3A_731 : f32 to vector<400x32xf32>
    %mul3A_733 = arith.mulf %sqrt3A_730, %mul3A_732 : vector<400x32xf32>
    %sub3A_734 = arith.constant 1.000000e+00 : f32
    %sub3A_735 = vector.broadcast %sub3A_734 : f32 to vector<400x32xf32>
    %sub3A_736 = arith.subf %sub3A_735, %mul3A_733 : vector<400x32xf32>
    %max3A_737 = arith.constant 0.000000e+00 : f32
    %max3A_738 = vector.broadcast %max3A_737 : f32 to vector<400x32xf32>
    %max3A_739 = arith.maximumf %sub3A_736, %max3A_738 : vector<400x32xf32>
    %convert_element_type3A_740 = arith.truncf %max3A_739 : vector<400x32xf32> to vector<400x32xbf16>
    %dot_general3A_741 = arith.constant dense<0.000000e+00> : vector<400x4096xf32>
    %dot_general3A_742 = tpu.matmul %convert_element_type3A_740, %convert_element_type3A_52, %dot_general3A_741 {dimension_numbers = #tpu.dot_dimension_numbers<[1], [0], [0], [1], [0, 0, 1, 1], [], []>, transpose_lhs_hint = false} : vector<400x32xbf16>, vector<32x4096xbf16>, vector<400x4096xf32> -> vector<400x4096xf32>
    %convert_element_type3A_743 = arith.truncf %dot_general3A_742 : vector<400x4096xf32> to vector<400x4096xbf16>
    %mul3A_744 = arith.mulf %convert_element_type3A_743, %convert_element_type3A : vector<400x4096xbf16>
    %slice3A_745 = vector.extract_strided_slice %mul3A_744 {offsets = [0, 0], sizes = [400, 2048], strides = [1, 1]} : vector<400x4096xbf16> to vector<400x2048xbf16>
    %slice3A_746 = vector.extract_strided_slice %mul3A_744 {offsets = [0, 2048], sizes = [400, 2048], strides = [1, 1]} : vector<400x4096xbf16> to vector<400x2048xbf16>
    %add3A_747 = arith.addf %slice3A_745, %slice3A_746 : vector<400x2048xbf16>
    %convert_element_type3A_748 = arith.extf %add3A_747 : vector<400x2048xbf16> to vector<400x2048xf32>
    %slice3A_749 = vector.extract_strided_slice %convert_element_type3A_748 {offsets = [0, 0], sizes = [400, 1024], strides = [1, 1]} : vector<400x2048xf32> to vector<400x1024xf32>
    %slice3A_750 = vector.extract_strided_slice %convert_element_type3A_748 {offsets = [0, 1024], sizes = [400, 1024], strides = [1, 1]} : vector<400x2048xf32> to vector<400x1024xf32>
    %add3A_751 = arith.addf %slice3A_749, %slice3A_750 : vector<400x1024xf32>
    %slice3A_752 = vector.extract_strided_slice %add3A_751 {offsets = [0, 0], sizes = [400, 512], strides = [1, 1]} : vector<400x1024xf32> to vector<400x512xf32>
    %slice3A_753 = vector.extract_strided_slice %add3A_751 {offsets = [0, 512], sizes = [400, 512], strides = [1, 1]} : vector<400x1024xf32> to vector<400x512xf32>
    %add3A_754 = arith.addf %slice3A_752, %slice3A_753 : vector<400x512xf32>
    %slice3A_755 = vector.extract_strided_slice %add3A_754 {offsets = [0, 0], sizes = [400, 256], strides = [1, 1]} : vector<400x512xf32> to vector<400x256xf32>
    %slice3A_756 = vector.extract_strided_slice %add3A_754 {offsets = [0, 256], sizes = [400, 256], strides = [1, 1]} : vector<400x512xf32> to vector<400x256xf32>
    %add3A_757 = arith.addf %slice3A_755, %slice3A_756 : vector<400x256xf32>
    %slice3A_758 = vector.extract_strided_slice %add3A_757 {offsets = [0, 0], sizes = [400, 128], strides = [1, 1]} : vector<400x256xf32> to vector<400x128xf32>
    %slice3A_759 = vector.extract_strided_slice %add3A_757 {offsets = [0, 128], sizes = [400, 128], strides = [1, 1]} : vector<400x256xf32> to vector<400x128xf32>
    %add3A_760 = arith.addf %slice3A_758, %slice3A_759 : vector<400x128xf32>
    %get3A_761 = arith.constant 14 : index
    %get3A_762 = arith.constant 0 : index
    %get3A_763 = memref.load %arg1[%get3A_761, %get3A_762] : memref<16x4xf32, #tpu.memory_space<smem>>
    %sub3A_764 = vector.broadcast %get3A_763 : f32 to vector<400x32xf32>
    %sub3A_765 = arith.subf %sub3A_8, %sub3A_764 : vector<400x32xf32>
    %get3A_766 = arith.constant 14 : index
    %get3A_767 = arith.constant 1 : index
    %get3A_768 = memref.load %arg1[%get3A_766, %get3A_767] : memref<16x4xf32, #tpu.memory_space<smem>>
    %sub3A_769 = vector.broadcast %get3A_768 : f32 to vector<400x32xf32>
    %sub3A_770 = arith.subf %sub3A_16, %sub3A_769 : vector<400x32xf32>
    %get3A_771 = arith.constant 14 : index
    %get3A_772 = arith.constant 2 : index
    %get3A_773 = memref.load %arg1[%get3A_771, %get3A_772] : memref<16x4xf32, #tpu.memory_space<smem>>
    %sub3A_774 = vector.broadcast %get3A_773 : f32 to vector<400x32xf32>
    %sub3A_775 = arith.subf %sub3A_24, %sub3A_774 : vector<400x32xf32>
    %mul3A_776 = arith.mulf %sub3A_765, %sub3A_765 : vector<400x32xf32>
    %mul3A_777 = arith.mulf %sub3A_770, %sub3A_770 : vector<400x32xf32>
    %add3A_778 = arith.addf %mul3A_776, %mul3A_777 : vector<400x32xf32>
    %mul3A_779 = arith.mulf %sub3A_775, %sub3A_775 : vector<400x32xf32>
    %add3A_780 = arith.addf %add3A_778, %mul3A_779 : vector<400x32xf32>
    %sqrt3A_781 = math.sqrt %add3A_780 : vector<400x32xf32>
    %mul3A_782 = arith.constant 0.833333313 : f32
    %mul3A_783 = vector.broadcast %mul3A_782 : f32 to vector<400x32xf32>
    %mul3A_784 = arith.mulf %sqrt3A_781, %mul3A_783 : vector<400x32xf32>
    %sub3A_785 = arith.constant 1.000000e+00 : f32
    %sub3A_786 = vector.broadcast %sub3A_785 : f32 to vector<400x32xf32>
    %sub3A_787 = arith.subf %sub3A_786, %mul3A_784 : vector<400x32xf32>
    %max3A_788 = arith.constant 0.000000e+00 : f32
    %max3A_789 = vector.broadcast %max3A_788 : f32 to vector<400x32xf32>
    %max3A_790 = arith.maximumf %sub3A_787, %max3A_789 : vector<400x32xf32>
    %convert_element_type3A_791 = arith.truncf %max3A_790 : vector<400x32xf32> to vector<400x32xbf16>
    %dot_general3A_792 = arith.constant dense<0.000000e+00> : vector<400x4096xf32>
    %dot_general3A_793 = tpu.matmul %convert_element_type3A_791, %convert_element_type3A_52, %dot_general3A_792 {dimension_numbers = #tpu.dot_dimension_numbers<[1], [0], [0], [1], [0, 0, 1, 1], [], []>, transpose_lhs_hint = false} : vector<400x32xbf16>, vector<32x4096xbf16>, vector<400x4096xf32> -> vector<400x4096xf32>
    %convert_element_type3A_794 = arith.truncf %dot_general3A_793 : vector<400x4096xf32> to vector<400x4096xbf16>
    %mul3A_795 = arith.mulf %convert_element_type3A_794, %convert_element_type3A : vector<400x4096xbf16>
    %slice3A_796 = vector.extract_strided_slice %mul3A_795 {offsets = [0, 0], sizes = [400, 2048], strides = [1, 1]} : vector<400x4096xbf16> to vector<400x2048xbf16>
    %slice3A_797 = vector.extract_strided_slice %mul3A_795 {offsets = [0, 2048], sizes = [400, 2048], strides = [1, 1]} : vector<400x4096xbf16> to vector<400x2048xbf16>
    %add3A_798 = arith.addf %slice3A_796, %slice3A_797 : vector<400x2048xbf16>
    %convert_element_type3A_799 = arith.extf %add3A_798 : vector<400x2048xbf16> to vector<400x2048xf32>
    %slice3A_800 = vector.extract_strided_slice %convert_element_type3A_799 {offsets = [0, 0], sizes = [400, 1024], strides = [1, 1]} : vector<400x2048xf32> to vector<400x1024xf32>
    %slice3A_801 = vector.extract_strided_slice %convert_element_type3A_799 {offsets = [0, 1024], sizes = [400, 1024], strides = [1, 1]} : vector<400x2048xf32> to vector<400x1024xf32>
    %add3A_802 = arith.addf %slice3A_800, %slice3A_801 : vector<400x1024xf32>
    %slice3A_803 = vector.extract_strided_slice %add3A_802 {offsets = [0, 0], sizes = [400, 512], strides = [1, 1]} : vector<400x1024xf32> to vector<400x512xf32>
    %slice3A_804 = vector.extract_strided_slice %add3A_802 {offsets = [0, 512], sizes = [400, 512], strides = [1, 1]} : vector<400x1024xf32> to vector<400x512xf32>
    %add3A_805 = arith.addf %slice3A_803, %slice3A_804 : vector<400x512xf32>
    %slice3A_806 = vector.extract_strided_slice %add3A_805 {offsets = [0, 0], sizes = [400, 256], strides = [1, 1]} : vector<400x512xf32> to vector<400x256xf32>
    %slice3A_807 = vector.extract_strided_slice %add3A_805 {offsets = [0, 256], sizes = [400, 256], strides = [1, 1]} : vector<400x512xf32> to vector<400x256xf32>
    %add3A_808 = arith.addf %slice3A_806, %slice3A_807 : vector<400x256xf32>
    %slice3A_809 = vector.extract_strided_slice %add3A_808 {offsets = [0, 0], sizes = [400, 128], strides = [1, 1]} : vector<400x256xf32> to vector<400x128xf32>
    %slice3A_810 = vector.extract_strided_slice %add3A_808 {offsets = [0, 128], sizes = [400, 128], strides = [1, 1]} : vector<400x256xf32> to vector<400x128xf32>
    %add3A_811 = arith.addf %slice3A_809, %slice3A_810 : vector<400x128xf32>
    %concatenate3A = tpu.concatenate %add3A_97, %add3A_148, %add3A_199, %add3A_250, %add3A_301, %add3A_352, %add3A_403, %add3A_454, %add3A_505, %add3A_556, %add3A_607, %add3A_658, %add3A_709, %add3A_760, %add3A_811 in 1 : vector<400x128xf32>, vector<400x128xf32>, vector<400x128xf32>, vector<400x128xf32>, vector<400x128xf32>, vector<400x128xf32>, vector<400x128xf32>, vector<400x128xf32>, vector<400x128xf32>, vector<400x128xf32>, vector<400x128xf32>, vector<400x128xf32>, vector<400x128xf32>, vector<400x128xf32>, vector<400x128xf32> -> vector<400x1920xf32>
    %convert_element_type3A_812 = arith.truncf %concatenate3A : vector<400x1920xf32> to vector<400x1920xbf16>
    %get3A_813 = arith.constant 0 : index
    %get3A_814 = arith.constant 0 : index
    %get3A_815 = vector.load %arg7[%get3A_813, %get3A_814] : memref<1920x128xbf16, #tpu.memory_space<vmem>>, vector<1920x128xbf16>
    %dot_general3A_816 = arith.constant dense<0.000000e+00> : vector<400x128xf32>
    %dot_general3A_817 = tpu.matmul %convert_element_type3A_812, %get3A_815, %dot_general3A_816 {dimension_numbers = #tpu.dot_dimension_numbers<[1], [0], [0], [1], [0, 0, 1, 1], [], []>, transpose_lhs_hint = false} : vector<400x1920xbf16>, vector<1920x128xbf16>, vector<400x128xf32> -> vector<400x128xf32>
    %swap3A = arith.constant 0 : index
    %swap3A_818 = arith.constant 0 : index
    %swap3A_819 = vector.load %arg8[%swap3A, %swap3A_818] : memref<400x128xf32, #tpu.memory_space<vmem>>, vector<400x128xf32>
    tpu.vector_store %arg8[%swap3A, %swap3A_818], %dot_general3A_817 {strides = array<i32>} : memref<400x128xf32, #tpu.memory_space<vmem>>, vector<400x128xf32>,
    %eq3A_820 = arith.constant 0 : i32
    %eq3A_821 = arith.cmpi eq, %arg0, %eq3A_820 : i32
    %convert_element_type3A_822 = arith.extui %eq3A_821 : i1 to i32
    %cond3A = arith.constant 0 : i32
    %cond3A_823 = arith.cmpi ne, %convert_element_type3A_822, %cond3A : i32
    scf.if %cond3A_823 {
      %broadcast_in_dim3A_837 = arith.constant 0.000000e+00 : f32
      %broadcast_in_dim3A_838 = vector.broadcast %broadcast_in_dim3A_837 : f32 to vector<2x128xf32>
      %swap3A_839 = arith.constant 0 : index
      %swap3A_840 = arith.constant 0 : index
      %swap3A_841 = vector.load %arg9[%swap3A_839, %swap3A_840] : memref<2x128xf32, #tpu.memory_space<vmem>>, vector<2x128xf32>
      tpu.vector_store %arg9[%swap3A_839, %swap3A_840], %broadcast_in_dim3A_838 {strides = array<i32>} : memref<2x128xf32, #tpu.memory_space<vmem>>, vector<2x128xf32>,
    } else {
    }
    %reduce_sum3A = arith.constant dense<0.000000e+00> : vector<128xf32>
    %reduce_sum3A_824 = vector.multi_reduction <add>, %dot_general3A_817, %reduce_sum3A [0] : vector<400x128xf32> to vector<128xf32>
    %broadcast_in_dim3A = vector.shape_cast %reduce_sum3A_824 : vector<128xf32> to vector<1x128xf32>
    %mul3A_825 = arith.mulf %dot_general3A_817, %dot_general3A_817 : vector<400x128xf32>
    %reduce_sum3A_826 = arith.constant dense<0.000000e+00> : vector<128xf32>
    %reduce_sum3A_827 = vector.multi_reduction <add>, %mul3A_825, %reduce_sum3A_826 [0] : vector<400x128xf32> to vector<128xf32>
    %broadcast_in_dim3A_828 = vector.shape_cast %reduce_sum3A_827 : vector<128xf32> to vector<1x128xf32>
    %concatenate3A_829 = tpu.concatenate %broadcast_in_dim3A, %broadcast_in_dim3A_828 in 0 : vector<1x128xf32>, vector<1x128xf32> -> vector<2x128xf32>
    %get3A_830 = arith.constant 0 : index
    %get3A_831 = arith.constant 0 : index
    %get3A_832 = vector.load %arg9[%get3A_830, %get3A_831] : memref<2x128xf32, #tpu.memory_space<vmem>>, vector<2x128xf32>
    %add3A_833 = arith.addf %get3A_832, %concatenate3A_829 : vector<2x128xf32>
    %swap3A_834 = arith.constant 0 : index
    %swap3A_835 = arith.constant 0 : index
    %swap3A_836 = vector.load %arg9[%swap3A_834, %swap3A_835] : memref<2x128xf32, #tpu.memory_space<vmem>>, vector<2x128xf32>
    tpu.vector_store %arg9[%swap3A_834, %swap3A_835], %add3A_833 {strides = array<i32>} : memref<2x128xf32, #tpu.memory_space<vmem>>, vector<2x128xf32>,
    return
  }
  func.func @transform_0(%arg0: i32) -> (i32, i32) {
    %c0_i32 = arith.constant 0 : i32
    %c0_i32_0 = arith.constant 0 : i32
    %c0_i32_1 = arith.constant 0 : i32
    return %c0_i32, %c0_i32_0 : i32, i32
  }
  func.func @transform_1(%arg0: i32) -> (i32, i32) {
    %c0_i32 = arith.constant 0 : i32
    %c0_i32_0 = arith.constant 0 : i32
    return %arg0, %c0_i32 : i32, i32
  }
  func.func @transform_2(%arg0: i32) -> (i32, i32) {
    %c0_i32 = arith.constant 0 : i32
    %c0_i32_0 = arith.constant 0 : i32
    return %arg0, %c0_i32 : i32, i32
  }
  func.func @transform_3(%arg0: i32) -> (i32, i32) {
    %c0_i32 = arith.constant 0 : i32
    %c0_i32_0 = arith.constant 0 : i32
    return %arg0, %c0_i32 : i32, i32
  }
  func.func @transform_4(%arg0: i32) -> (i32, i32) {
    %c0_i32 = arith.constant 0 : i32
    %c0_i32_0 = arith.constant 0 : i32
    return %arg0, %c0_i32 : i32, i32
  }
  func.func @transform_5(%arg0: i32) -> (i32, i32) {
    %c0_i32 = arith.constant 0 : i32
    %c0_i32_0 = arith.constant 0 : i32
    return %arg0, %c0_i32 : i32, i32
  }
  func.func @transform_6(%arg0: i32) -> (i32, i32) {
    %c0_i32 = arith.constant 0 : i32
    %c0_i32_0 = arith.constant 0 : i32
    %c0_i32_1 = arith.constant 0 : i32
    return %c0_i32, %c0_i32_0 : i32, i32
  }
  func.func @transform_7(%arg0: i32) -> (i32, i32) {
    %c0_i32 = arith.constant 0 : i32
    %c0_i32_0 = arith.constant 0 : i32
    return %arg0, %c0_i32 : i32, i32
  }
  func.func @transform_8(%arg0: i32) -> (i32, i32) {
    %c0_i32 = arith.constant 0 : i32
    %c0_i32_0 = arith.constant 0 : i32
    %c0_i32_1 = arith.constant 0 : i32
    return %c0_i32, %c0_i32_0 : i32, i32
  }
}

module attributes {stable_mosaic.version = 14 : i64} {
  func.func @body(%arg0: i32, %arg1: memref<400x128xf32, #tpu.memory_space<vmem>>, %arg2: memref<2x128xf32, #tpu.memory_space<vmem>>, %arg3: memref<1x128xf32, #tpu.memory_space<vmem>>, %arg4: memref<1x128xf32, #tpu.memory_space<vmem>>, %arg5: memref<400x128xf32, #tpu.memory_space<vmem>>) attributes {dimension_semantics = [#tpu.dimension_semantics<arbitrary>], iteration_bounds = array<i64: 25>, scalar_prefetch = 0 : i64, scratch_operands = 0 : i64, tpu.core_type = #tpu.core_type<tc>, window_params = [{transform_indices = @transform_0, window_bounds = array<i64: 400, 128>}, {pipeline_mode = #tpu.pipeline_mode<synchronous>, transform_indices = @transform_1, window_bounds = array<i64: 2, 128>}, {pipeline_mode = #tpu.pipeline_mode<synchronous>, transform_indices = @transform_2, window_bounds = array<i64: 1, 128>}, {pipeline_mode = #tpu.pipeline_mode<synchronous>, transform_indices = @transform_3, window_bounds = array<i64: 1, 128>}, {transform_indices = @transform_4, window_bounds = array<i64: 400, 128>}]} {
    %get3A = arith.constant 0 : index
    %get3A_0 = arith.constant 0 : index
    %get3A_1 = vector.load %arg2[%get3A, %get3A_0] : memref<2x128xf32, #tpu.memory_space<vmem>>, vector<1x128xf32>
    %get3A_2 = arith.constant 1 : index
    %get3A_3 = arith.constant 0 : index
    %get3A_4 = vector.load %arg2[%get3A_2, %get3A_3] : memref<2x128xf32, #tpu.memory_space<vmem>>, vector<1x128xf32>
    %mul3A = arith.constant 9.99999974E-5 : f32
    %mul3A_5 = vector.broadcast %mul3A : f32 to vector<1x128xf32>
    %mul3A_6 = arith.mulf %get3A_1, %mul3A_5 : vector<1x128xf32>
    %mul3A_7 = arith.constant 9.99999974E-5 : f32
    %mul3A_8 = vector.broadcast %mul3A_7 : f32 to vector<1x128xf32>
    %mul3A_9 = arith.mulf %get3A_4, %mul3A_8 : vector<1x128xf32>
    %mul3A_10 = arith.mulf %mul3A_6, %mul3A_6 : vector<1x128xf32>
    %sub3A = arith.subf %mul3A_9, %mul3A_10 : vector<1x128xf32>
    %get3A_11 = arith.constant 0 : index
    %get3A_12 = arith.constant 0 : index
    %get3A_13 = vector.load %arg3[%get3A_11, %get3A_12] : memref<1x128xf32, #tpu.memory_space<vmem>>, vector<1x128xf32>
    %add3A = arith.constant 9.99999974E-6 : f32
    %add3A_14 = vector.broadcast %add3A : f32 to vector<1x128xf32>
    %add3A_15 = arith.addf %sub3A, %add3A_14 : vector<1x128xf32>
    %rsqrt3A = math.rsqrt %add3A_15 : vector<1x128xf32>
    %mul3A_16 = arith.mulf %get3A_13, %rsqrt3A : vector<1x128xf32>
    %get3A_17 = arith.constant 0 : index
    %get3A_18 = arith.constant 0 : index
    %get3A_19 = vector.load %arg4[%get3A_17, %get3A_18] : memref<1x128xf32, #tpu.memory_space<vmem>>, vector<1x128xf32>
    %mul3A_20 = arith.mulf %mul3A_6, %mul3A_16 : vector<1x128xf32>
    %sub3A_21 = arith.subf %get3A_19, %mul3A_20 : vector<1x128xf32>
    %get3A_22 = arith.constant 0 : index
    %get3A_23 = arith.constant 0 : index
    %get3A_24 = vector.load %arg1[%get3A_22, %get3A_23] : memref<400x128xf32, #tpu.memory_space<vmem>>, vector<400x128xf32>
    %mul3A_25 = vector.broadcast %mul3A_16 : vector<1x128xf32> to vector<400x128xf32>
    %mul3A_26 = arith.mulf %get3A_24, %mul3A_25 : vector<400x128xf32>
    %add3A_27 = vector.broadcast %sub3A_21 : vector<1x128xf32> to vector<400x128xf32>
    %add3A_28 = arith.addf %mul3A_26, %add3A_27 : vector<400x128xf32>
    %ge3A = arith.constant 0.000000e+00 : f32
    %ge3A_29 = vector.broadcast %ge3A : f32 to vector<400x128xf32>
    %ge3A_30 = arith.cmpf oge, %add3A_28, %ge3A_29 : vector<400x128xf32>
    %mul3A_31 = arith.constant 1.000000e-01 : f32
    %mul3A_32 = vector.broadcast %mul3A_31 : f32 to vector<400x128xf32>
    %mul3A_33 = arith.mulf %mul3A_32, %add3A_28 : vector<400x128xf32>
    %select_n3A = arith.select %ge3A_30, %add3A_28, %mul3A_33 : vector<400x128xi1>, vector<400x128xf32>
    %swap3A = arith.constant 0 : index
    %swap3A_34 = arith.constant 0 : index
    %swap3A_35 = vector.load %arg5[%swap3A, %swap3A_34] : memref<400x128xf32, #tpu.memory_space<vmem>>, vector<400x128xf32>
    tpu.vector_store %arg5[%swap3A, %swap3A_34], %select_n3A {strides = array<i32>} : memref<400x128xf32, #tpu.memory_space<vmem>>, vector<400x128xf32>,
    return
  }
  func.func @transform_0(%arg0: i32) -> (i32, i32) {
    %c0_i32 = arith.constant 0 : i32
    %c0_i32_0 = arith.constant 0 : i32
    return %arg0, %c0_i32 : i32, i32
  }
  func.func @transform_1(%arg0: i32) -> (i32, i32) {
    %c0_i32 = arith.constant 0 : i32
    %c0_i32_0 = arith.constant 0 : i32
    %c0_i32_1 = arith.constant 0 : i32
    return %c0_i32, %c0_i32_0 : i32, i32
  }
  func.func @transform_2(%arg0: i32) -> (i32, i32) {
    %c0_i32 = arith.constant 0 : i32
    %c0_i32_0 = arith.constant 0 : i32
    %c0_i32_1 = arith.constant 0 : i32
    return %c0_i32, %c0_i32_0 : i32, i32
  }
  func.func @transform_3(%arg0: i32) -> (i32, i32) {
    %c0_i32 = arith.constant 0 : i32
    %c0_i32_0 = arith.constant 0 : i32
    %c0_i32_1 = arith.constant 0 : i32
    return %c0_i32, %c0_i32_0 : i32, i32
  }
  func.func @transform_4(%arg0: i32) -> (i32, i32) {
    %c0_i32 = arith.constant 0 : i32
    %c0_i32_0 = arith.constant 0 : i32
    return %arg0, %c0_i32 : i32, i32
  }
}

</mosaic_0001>

<sc_bundles>
// kernel: kernel.5.cloned.1.call-start
scs
__scs_entry_jumppad:
0x0: {  	(pc) =	sbr.rel $0x88, $3  }
0x1: {  	(tag) =	ssettag $0x0;
	lr =	simm.s32 $0x1  }
0x2: {  	[smem:$0x3F99] =	sst lr;
	_ =	strace $0xD0000000  }
0x3: {  	_ = 	snop  }
0x4: {  	_ = 	snop  }
0x5: {  	_ = 	snop  }
0x6: {  	_ = 	snop  }
0x7: {  	_ = 	snop  }
__scs_overlays_trampoline_lowered:
0x8: {  	[smem:$0x3FA8] =	sst s0  }
0x9: {  	[smem:$0x3FA9] =	sst s1  }
0xa: {  	[smem:$0x3FAA] =	sst s2  }
0xb: {  	[smem:$0x3FAB] =	sst s3  }
0xc: {  	[smem:$0x3FAC] =	sst s4  }
0xd: {  	[smem:$0x3FAD] =	sst s5  }
0xe: {  	[smem:$0x3FAE] =	sst s6  }
0xf: {  	[smem:$0x3FAF] =	sst s7  }
0x10: {  	[smem:$0x3FB0] =	sst s8  }
0x11: {  	[smem:$0x3FB1] =	sst s9;
	s0 =	simm.s32 @!p0 $0x0  }
0x12: {  	s1 =	sld [smem:$0x3F97];
	s0 =	simm.s32 @p0 $0x1  }
0x13: {  	[smem:$0x3FB2] =	sst s0;
	s0 =	simm.s32 @!p1 $0x0  }
0x14: {  	s2 =	sld [smem:$0x3F96];
	s0 =	simm.s32 @p1 $0x1  }
0x15: {  	[smem:$0x3FB3] =	sst s0;
	s0 =	simm.s32 @!p2 $0x0  }
0x16: {  	s3 =	sld [smem:$0x3FDB];
	s0 =	simm.s32 @p2 $0x1  }
0x17: {  	s4 =	simm.s32 $0x1BF5;
	[smem:$0x3FB5] =	sst s0  }
0x18: {  	s0 =	sld [smem:$0x3F98];
	_ =	swait.ge [sflag:s4], $0x0  }
0x19: {  	s7 =	sld [smem:$0x3F99]  }
0x1a: {  	s8 =	sadd.s32 $0xFFFFE003, lr  }
0x1b: {  	s9 =	sadd.s32 $0xFFFFFEF7, lr;
	s5 =	simm.s32 $0xFFFFFFFF;
	p2 =	slt.u32 s8, $0xFFFFF086  }
0x1c: {  	p1 =	slt.u32 s9, $0xF7A;
	s5 =	simm.s32 @!p2 $0x0  }
0x1d: {  	s5 =	simm.s32 @p1 $0x1;
	p0 =	seq.s32 s7, s2  }
0x1e: {  	s7 =	smul.u32 @!p0 $0xF7A, s2;
	p2 =	seq.s32 @!p0 s5, $0x0  }
0x1f: {  	s9 =	smul.u32 $0xF7A, s1;
	s8 =	simm.s32 @!p0 $0x1BF5;
	p2 =	por !p2, p0  }
0x20: {  	[sflag:s8] =	ssyncset.s32 @!p0 $0xFFFFF086;
	s6 =	sadd.s32 @!p0 s3, s7;
	s7 =	simm.s32 @!p0 $0x108  }
0x21: {  	s3 =	sadd.s32 s3, s9;
	s6 =	sadd.s32 @!p0 $0x88, s6;
	s7 =	simm.s32 @p2 $0x1082  }
0x22: {  	[simem:s7], [sflag:s8] =	dma.local @!p0 [hbm:s6], $0xF7A  }
0x23: {  	s9 =	sor.u32 $0xD0000000, s2;
	s6 =	simm.s32 $0x108;
	_ =	swait.ge @!p0 [sflag:s8], $0x0  }
0x24: {  	s3 =	sadd.s32 $0x88, s3;
	s6 =	simm.s32 @!p1 $0x1082;
	[sflag:s4] =	ssyncset.s32 $0xFFFFF086  }
0x25: {  	[simem:s6], [sflag:s4] =	dma.local [hbm:s3], $0xF7A  }
0x26: {  	[smem:$0x3F99] =	sst s1;
	(tag) =	ssettag s2;
	_ =	strace s9  }
0x27: {  	s1 =	sld [smem:$0x3FA9]  }
0x28: {  	s2 =	sld [smem:$0x3FAA]  }
0x29: {  	s4 =	sld [smem:$0x3FAC]  }
0x2a: {  	p0 =	seq.s32 s5, $0x0;
	s5 =	sld [smem:$0x3FAD]  }
0x2b: {  	s6 =	sld [smem:$0x3FAE]  }
0x2c: {  	s7 =	sld [smem:$0x3FAF]  }
0x2d: {  	s3 =	simm.s32 $0x108;
	s8 =	sld [smem:$0x3FB0]  }
0x2e: {  	s3 =	simm.s32 @!p0 $0x1082;
	s9 =	sld [smem:$0x3FB1]  }
0x2f: {  	lr =	sadd.s32 s0, s3;
	s0 =	sld [smem:$0x3FA8]  }
0x30: {  	s3 =	sld [smem:$0x3FAB]  }
0x31: {  	[smem:$0x3FB4] =	sst s10  }
0x32: {  	s10 =	sld [smem:$0x3FB2];
	_ =	sdelay $0x3  }
0x33: {  	p0 =	seq.s32 s10, $0x1;
	s10 =	sld [smem:$0x3FB4];
	_ =	sdelay $0x3  }
0x34: {  	[smem:$0x3FB4] =	sst s10  }
0x35: {  	s10 =	sld [smem:$0x3FB3];
	_ =	sdelay $0x3  }
0x36: {  	p1 =	seq.s32 s10, $0x1;
	s10 =	sld [smem:$0x3FB4];
	_ =	sdelay $0x3  }
0x37: {  	[smem:$0x3FB4] =	sst s10  }
0x38: {  	s10 =	sld [smem:$0x3FB5]  }
0x39: {  	_ = 	snop;
	(pc) =	sbr.ind lr, $3  }
0x3a: {  	_ = 	snop  }
0x3b: {  	_ = 	snop  }
0x3c: {  	p2 =	seq.s32 s10, $0x1;
	s10 =	sld [smem:$0x3FB4]  }
0x3d: {  	_ =	shalt  }
0x3e: {  	_ =	shalt  }
0x3f: {  	_ =	shalt  }
0x40: {  	_ =	shalt  }
0x41: {  	_ =	shalt  }
0x42: {  	_ =	shalt  }
0x43: {  	_ =	shalt  }
0x44: {  	_ =	shalt  }
0x45: {  	_ =	shalt  }
0x46: {  	_ =	shalt  }
0x47: {  	_ =	shalt  }
0x48: {  	_ =	shalt  }
0x49: {  	_ =	shalt  }
0x4a: {  	_ =	shalt  }
0x4b: {  	_ =	shalt  }
0x4c: {  	_ =	shalt  }
0x4d: {  	_ =	shalt  }
0x4e: {  	_ =	shalt  }
0x4f: {  	_ =	shalt  }
0x50: {  	_ =	shalt  }
0x51: {  	_ =	shalt  }
0x52: {  	_ =	shalt  }
0x53: {  	_ =	shalt  }
0x54: {  	_ =	shalt  }
0x55: {  	_ =	shalt  }
0x56: {  	_ =	shalt  }
0x57: {  	_ =	shalt  }
0x58: {  	_ =	shalt  }
0x59: {  	_ =	shalt  }
0x5a: {  	_ =	shalt  }
0x5b: {  	_ =	shalt  }
0x5c: {  	_ =	shalt  }
0x5d: {  	_ =	shalt  }
0x5e: {  	_ =	shalt  }
0x5f: {  	_ =	shalt  }
0x60: {  	_ =	shalt  }
0x61: {  	_ =	shalt  }
0x62: {  	_ =	shalt  }
0x63: {  	_ =	shalt  }
0x64: {  	_ =	shalt  }
0x65: {  	_ =	shalt  }
0x66: {  	_ =	shalt  }
0x67: {  	_ =	shalt  }
0x68: {  	_ =	shalt  }
0x69: {  	_ =	shalt  }
0x6a: {  	_ =	shalt  }
0x6b: {  	_ =	shalt  }
0x6c: {  	_ =	shalt  }
0x6d: {  	_ =	shalt  }
0x6e: {  	_ =	shalt  }
0x6f: {  	_ =	shalt  }
0x70: {  	_ =	shalt  }
0x71: {  	_ =	shalt  }
0x72: {  	_ =	shalt  }
0x73: {  	_ =	shalt  }
0x74: {  	_ =	shalt  }
0x75: {  	_ =	shalt  }
0x76: {  	_ =	shalt  }
0x77: {  	_ =	shalt  }
0x78: {  	_ =	shalt  }
0x79: {  	_ =	shalt  }
0x7a: {  	_ =	shalt  }
0x7b: {  	_ =	shalt  }
0x7c: {  	_ =	shalt  }
0x7d: {  	_ =	shalt  }
0x7e: {  	_ =	shalt  }
0x7f: {  	_ =	shalt  }
0x80: {  	_ =	shalt  }
0x81: {  	_ =	shalt  }
0x82: {  	_ =	shalt  }
0x83: {  	_ =	shalt  }
0x84: {  	_ =	shalt  }
0x85: {  	_ =	shalt  }
0x86: {  	_ =	shalt  }
0x87: {  	_ =	shalt  }
.Lfunc_end0:
.L_simem_size_0:
called_computation_lowered:
.L_overlay_start_0:
0x88: {  	s2 =	sld [smem:$0x3FD9]  }
0x89: {  	s3 =	sld [smem:$0x3FFE];
	_ =	sdelay $0x1  }
0x8a: {  	s1 =	srdreg.scid  }
0x8b: {  	s0 =	sand.u32 $0x1, s1  }
0x8c: {  	s17 =	sshll.u32 s0, $0xA;
	s2 =	sadd.s32 s3, s2  }
0x8d: {  	s2 =	sadd.s32 s2, s17  }
0x8e: {  	[smem:$0x3FC0] =	sst s2  }
0x8f: {  	_ = 	snop  }
0x90: {  	s2 =	sld [smem:$0x3FC9]  }
0x91: {  	s18 =	sld [smem:$0x3FD0];
	(tm) =	ssettm $0x1  }
0x92: {  	s4 =	sld [smem:$0x3FFB];
	_ =	sdelay $0x3  }
0x93: {  	_ =	strace s4  }
0x94: {  	s4 =	sld [smem:$0x3FFC];
	_ =	sdelay $0x3  }
0x95: {  	_ =	strace s4  }
0x96: {  	s4 =	sld [smem:$0x3FFD];
	_ =	sdelay $0x3  }
0x97: {  	_ =	strace s4  }
0x98: {  	_ =	strace $0x8FFFFFFF  }
0x99: {  	s19 =	sld [smem:$0x3FDB];
	_ =	sdelay $0x1  }
0x9a: {  	s5 =	simm.s32 $_scs_section_size  }
0x9b: {  	s6 =	simm.s32 $_size__tile_overlayer_lowered;
	s7 =	simm.s32 $_tile_overlayer_lowered  }
0x9c: {  	s22 =	simm.s32 $0x1BFF;
	s21 =	sshll.u32 s7, $0x1;
	s4 =	sadd.s32 s5, s19  }
0x9d: {  	s8 =	simm.s32 $0x0;
	s20 =	sshll.u32 s6, $0x1;
	s6 =	sadd.s32 s21, s4  }
0x9e: {  	[timem:s8], [sflag:s22] =	dma.local [hbm:s6], s20  }
0x9f: {  	_ =	swait.ge [sflag:s22], s20  }
0xa0: {  	s5 =	ssub.s32 $0x0, s20;
	[sflag:s22] =	ssyncset.done $0x0  }
0xa1: {  	[sflag:s22] =	ssyncadd.s32 s5;
	_ =	sdelay $0x1  }
0xa2: {  	s23 =	simm.s32 $0x1B8B  }
0xa3: {  	_ =	swait.ge [sflag:s23], $0x1  }
0xa4: {  	[sflag:s23] =	ssyncset.done $0x0  }
0xa5: {  	s25 =	simm.s32 $0x1B8E;
	s24 =	sld [smem:$0x3FFE];
	[sflag:s23] =	ssyncadd.s32 $0xFFFFFFFF  }
0xa6: {  	s26 =	simm.s32 $execute0_lowered;
	[smem:$0x3FD2] =	sst s25  }
0xa7: {  	s6 =	sshll.u32 s26, $0x1;
	_ =	strace $0x80000046;
	[dreg:$0x1] =	wrdreg $0xFFFFFFFF  }
0xa8: {  	s28 =	simm.s32 $_size_execute0_lowered;
	s4 =	sadd.s32 s4, s6;
	[dreg:$0x0] =	wrdreg $0x0  }
0xa9: {  	s6 =	sshll.u32 s28, $0x1;
	[dreg:$0x2] =	wrdreg s4  }
0xaa: {  	[dreg:$0x3] =	wrdreg s6  }
0xab: {  	[dreg:$0x4] =	wrdreg $0xC0  }
0xac: {  	_ =	task [dreg:s8], $0x5FFFF  }
0xad: {  	[dreg:$0x1] =	wrdreg $0xFFFFFFFF  }
0xae: {  	[dreg:$0x0] =	wrdreg $0x60  }
0xaf: {  	[dreg:$0x2] =	wrdreg s18  }
0xb0: {  	[dreg:$0x3] =	wrdreg s2  }
0xb1: {  	[dreg:$0x4] =	wrdreg s24  }
0xb2: {  	[dreg:$0x5] =	wrdreg $0x9  }
0xb3: {  	_ =	task.clear_ibuf [dreg:s8], $0x6FFFF;
	_ =	strace $0x90000046  }
0xb4: {  	s29 =	simm.s32 $0x9;
	_ =	strace $0x80000048  }
0xb5: {  	_ =	swait.ge [sflag:s29], $0x1  }
0xb6: {  	[sflag:s29] =	ssyncadd.s32 $0xFFFFFFFF  }
0xb7: {  	_ =	strace $0x90000048  }
0xb8: {  	_ =	sfence  }
0xb9: {  	s30 =	sld [smem:$0x0];
	_ =	sdelay $0x2  }
0xba: {  	s31 =	sshll.u32 s1, $0xD;
	s1 =	sshrl.u32 s1, $0x2  }
0xbb: {  	s3 =	sand.u32 $0x4000, s31;
	s1 =	sadd.s32 s1, s30  }
0xbc: {  	s0 =	sor.u32 s3, s0;
	s1 =	sshll.u32 s1, $0x11  }
0xbd: {  	s0 =	sor.u32 s1, s0  }
0xbe: {  	s0 =	sadd.s32 $0x8F2B, s0  }
0xbf: {  	[sflag:s0] =	ssyncadd.remote.s32 $0x1  }
0xc0: {  	_ =	sfence.sel $0xFFFF  }
0xc1: {  	[dreg:$0x0] =	wrdreg $0xFFFFFFFF;
	(pc) =	sbr.abs _section_cstart, $3  }
0xc2: {  	[dreg:$0x1] =	wrdreg $0xFFFFFFFF  }
0xc3: {  	_ =	task.clear_ibuf [dreg:s8], $0x2FFFF;
	_ =	strace $0x9FFFFFFF  }
0xc4: {  	(tm) =	ssettm $0x7FFFFFFF  }
0xc5: {  	_ =	shalt  }
tec
execute0_lowered:
.L_overlay_start_1:
0x0: {  	(tag) =	ssettag $0x1  }
0x1: {  	s0 =	rddreg [dreg:$0x0]  }
0x2: {  	s2 =	rddreg [dreg:$0x1]  }
0x3: {  	s1 =	rddreg [dreg:$0x2]  }
0x4: {  	s5 =	stileid.u32;
	s4 =	srdreg.scid  }
0x5: {  	s3 =	simm.s32 $0x0;
	s13 =	simm.s32 $0x2;
	s14 =	simm.s32 $0x10800  }
0x6: {  	s15 =	simm.s32 $0x12F80;
	s16 =	simm.s32 $0x15700;
	s17 =	simm.s32 $0x50  }
0x7: {  	s18 =	simm.s32 $0x4000;
	s19 =	simm.s32 $0x6800;
	s20 =	simm.s32 $0x9000  }
0x8: {  	s21 =	simm.s32 $0xB800;
	s22 =	simm.s32 $0xE000;
	s23 =	simm.s32 $0x1  }
0x9: {  	s24 =	simm.s32 $0x17E80;
	s25 =	simm.s32 $0x18080;
	s26 =	simm.s32 $0x18280  }
0xa: {  	s28 =	simm.s32 $0x0;
	s4 =	sand.u32 $0x1, s4;
	s6 =	smul.u32 $0x4E20, s5  }
0xb: {  	[smem:$0x7FF] =	sst s3;
	s8 =	smul.u32 $0x4E200, s5;
	s9 =	sadd.s32 $0x1800, s1  }
0xc: {  	s29 =	sadd.s32 $0x1200, s1;
	_ =	strace $0x80000047;
	[dreg:$0x4] =	wrdreg s9  }
0xd: {  	s11 =	sshll.u32 s5, $0xC;
	s7 =	smul.u32 $0x2710, s4;
	[dreg:$0x5] =	wrdreg s29  }
0xe: {  	s30 =	ssub.s32 $0x2, s4;
	s31 =	smul.u32 $0x27100, s4;
	s4 =	sshll.u32 s4, $0xB  }
0xf: {  	s8 =	sadd.s32 s8, s1;
	s10 =	sshrl.u32 s30, $0x1;
	s7 =	sadd.s32 s7, s6  }
0x10: {  	s4 =	sor.u32 s4, s11;
	s6 =	sadd.s32 $0xC00, s1;
	s7 =	sshrl.u32 s7, $0x3  }
0x11: {  	s10 =	ssub.s32 s30, s10;
	s8 =	sadd.s32 s31, s8;
	s1 =	sadd.s32 s7, s1  }
0x12: {  	s7 =	sadd.s32 s0, s4;
	s0 =	sadd.s32 $0x1E00, s8;
	s9 =	sadd.s32 $0x4F7A00, s1  }
0x13: {  	s10 =	smax.u32 s10, $0x1;
	s11 =	sadd.s32 $0x4EDC00, s1;
	s12 =	sadd.s32 $0x4E3E00, s1  }
.LBB2_1:
0x14: {  	[tilespmem:s3], [sflag:$0x2] =	stream.linear.gather [hbm4b:s7+s3], $0x3E80, $0x38;
	[tilespmem:$0x18480] =	vst v63  }
0x15: {  	_ =	swait.ge [sflag:s13], $0x3E80  }
0x16: {  	[sflag:s13] =	ssyncset.done $0x0  }
0x17: {  	s1 =	rddreg [dreg:$0x4];
	[sflag:s13] =	ssyncadd.s32 $0xFFFFC180  }
0x18: {  	[tilespmem:s14], [sflag:$0x2] =	stream.linear.gather [hbm4b:s1+s3], $0x2780, $0x38;
	[tilespmem:$0x18480] =	vst v63  }
0x19: {  	_ =	swait.ge [sflag:s13], $0x2780  }
0x1a: {  	[sflag:s13] =	ssyncset.done $0x0  }
0x1b: {  	s8 =	rddreg [dreg:$0x5];
	[sflag:s13] =	ssyncadd.s32 $0xFFFFD880  }
0x1c: {  	[tilespmem:s15], [sflag:$0x2] =	stream.linear.gather [hbm4b:s8+s3], $0x2780, $0x38;
	[tilespmem:$0x18480] =	vst v63  }
0x1d: {  	_ =	swait.ge [sflag:s13], $0x2780  }
0x1e: {  	[sflag:s13] =	ssyncset.done $0x0  }
0x1f: {  	[sflag:s13] =	ssyncadd.s32 $0xFFFFD880  }
0x20: {  	[tilespmem:s16], [sflag:$0x2] =	stream.linear.gather [hbm4b:s6+s3], $0x2780, $0x38;
	[tilespmem:$0x18480] =	vst v63  }
0x21: {  	s29 =	smov.u32 s12;
	_ =	swait.ge [sflag:s13], $0x2780  }
0x22: {  	s30 =	smov.u32 s11;
	s31 =	smov.u32 s9;
	[sflag:s13] =	ssyncset.done $0x0  }
0x23: {  	s1 =	simm.s32 $0x0;
	s8 =	smov.u32 s0;
	[sflag:s13] =	ssyncadd.s32 $0xFFFFD880  }
.LBB2_2:
0x24: {  	s4 =	sshra.s32 s1, $0x2  }
0x25: {  	[tilespmem:s18], [sflag:$0x1] =	stream.indirect.gather [hbm4b:s2+s17], $0x80, s4, s17, $0xb8;
	[tilespmem:$0x18480] =	vst v63  }
0x26: {  	s5 =	sadd.s32 $0x80, s4  }
0x27: {  	[tilespmem:s19], [sflag:$0x1] =	stream.indirect.gather [hbm4b:s2+s17], $0x80, s5, s17, $0xb8;
	[tilespmem:$0x18480] =	vst v63  }
0x28: {  	s5 =	sadd.s32 $0x100, s4  }
0x29: {  	[tilespmem:s20], [sflag:$0x1] =	stream.indirect.gather [hbm4b:s2+s17], $0x80, s5, s17, $0xb8;
	[tilespmem:$0x18480] =	vst v63  }
0x2a: {  	s5 =	sadd.s32 $0x180, s4  }
0x2b: {  	[tilespmem:s21], [sflag:$0x1] =	stream.indirect.gather [hbm4b:s2+s17], $0x80, s5, s17, $0xb8;
	[tilespmem:$0x18480] =	vst v63  }
0x2c: {  	s5 =	sadd.s32 $0x200, s4  }
0x2d: {  	[tilespmem:s22], [sflag:$0x1] =	stream.indirect.gather [hbm4b:s2+s17], $0x80, s5, s17, $0xb8;
	[tilespmem:$0x18480] =	vst v63  }
0x2e: {  	v0 =	vld [tilespmem:s4+$0x0];
	_ =	sdelay $0x7  }
0x2f: {  	v1 =	vld.idx.msk [tilespmem:v0+s14+$0x0], $0xffff;
	_ =	sdelay $0x4  }
0x30: {  	[tilespmem:$0x17E80] =	vst v1  }
0x31: {  	v1 =	vld.idx.msk [tilespmem:v0+s15+$0x0], $0xffff;
	_ =	sdelay $0x4  }
0x32: {  	[tilespmem:$0x18080] =	vst v1  }
0x33: {  	v0 =	vld.idx.msk [tilespmem:v0+s16+$0x0], $0xffff;
	_ =	sdelay $0x4  }
0x34: {  	[tilespmem:$0x18280] =	vst v0  }
0x35: {  	v0 =	vld [tilespmem:s4+$0x10];
	_ =	sdelay $0x7  }
0x36: {  	v1 =	vld.idx.msk [tilespmem:v0+s14+$0x0], $0xffff;
	_ =	sdelay $0x4  }
0x37: {  	[tilespmem:$0x17E90] =	vst v1  }
0x38: {  	v1 =	vld.idx.msk [tilespmem:v0+s15+$0x0], $0xffff;
	_ =	sdelay $0x4  }
0x39: {  	[tilespmem:$0x18090] =	vst v1  }
0x3a: {  	v0 =	vld.idx.msk [tilespmem:v0+s16+$0x0], $0xffff;
	_ =	sdelay $0x4  }
0x3b: {  	[tilespmem:$0x18290] =	vst v0  }
0x3c: {  	v0 =	vld [tilespmem:s4+$0x20];
	_ =	sdelay $0x7  }
0x3d: {  	v1 =	vld.idx.msk [tilespmem:v0+s14+$0x0], $0xffff;
	_ =	sdelay $0x4  }
0x3e: {  	[tilespmem:$0x17EA0] =	vst v1  }
0x3f: {  	v1 =	vld.idx.msk [tilespmem:v0+s15+$0x0], $0xffff;
	_ =	sdelay $0x4  }
0x40: {  	[tilespmem:$0x180A0] =	vst v1  }
0x41: {  	v0 =	vld.idx.msk [tilespmem:v0+s16+$0x0], $0xffff;
	_ =	sdelay $0x4  }
0x42: {  	[tilespmem:$0x182A0] =	vst v0  }
0x43: {  	v0 =	vld [tilespmem:s4+$0x30];
	_ =	sdelay $0x7  }
0x44: {  	v1 =	vld.idx.msk [tilespmem:v0+s14+$0x0], $0xffff;
	_ =	sdelay $0x4  }
0x45: {  	[tilespmem:$0x17EB0] =	vst v1  }
0x46: {  	v1 =	vld.idx.msk [tilespmem:v0+s15+$0x0], $0xffff;
	_ =	sdelay $0x4  }
0x47: {  	[tilespmem:$0x180B0] =	vst v1  }
0x48: {  	v0 =	vld.idx.msk [tilespmem:v0+s16+$0x0], $0xffff;
	_ =	sdelay $0x4  }
0x49: {  	[tilespmem:$0x182B0] =	vst v0  }
0x4a: {  	v0 =	vld [tilespmem:s4+$0x40];
	_ =	sdelay $0x7  }
0x4b: {  	v1 =	vld.idx.msk [tilespmem:v0+s14+$0x0], $0xffff;
	_ =	sdelay $0x4  }
0x4c: {  	[tilespmem:$0x17EC0] =	vst v1  }
0x4d: {  	v1 =	vld.idx.msk [tilespmem:v0+s15+$0x0], $0xffff;
	_ =	sdelay $0x4  }
0x4e: {  	[tilespmem:$0x180C0] =	vst v1  }
0x4f: {  	v0 =	vld.idx.msk [tilespmem:v0+s16+$0x0], $0xffff;
	_ =	sdelay $0x4  }
0x50: {  	[tilespmem:$0x182C0] =	vst v0  }
0x51: {  	v0 =	vld [tilespmem:s4+$0x80];
	_ =	sdelay $0x7  }
0x52: {  	v1 =	vld.idx.msk [tilespmem:v0+s14+$0x0], $0xffff;
	_ =	sdelay $0x4  }
0x53: {  	[tilespmem:$0x17ED0] =	vst v1  }
0x54: {  	v1 =	vld.idx.msk [tilespmem:v0+s15+$0x0], $0xffff;
	_ =	sdelay $0x4  }
0x55: {  	[tilespmem:$0x180D0] =	vst v1  }
0x56: {  	v0 =	vld.idx.msk [tilespmem:v0+s16+$0x0], $0xffff;
	_ =	sdelay $0x4  }
0x57: {  	[tilespmem:$0x182D0] =	vst v0  }
0x58: {  	v0 =	vld [tilespmem:s4+$0x90];
	_ =	sdelay $0x7  }
0x59: {  	v1 =	vld.idx.msk [tilespmem:v0+s14+$0x0], $0xffff;
	_ =	sdelay $0x4  }
0x5a: {  	[tilespmem:$0x17EE0] =	vst v1  }
0x5b: {  	v1 =	vld.idx.msk [tilespmem:v0+s15+$0x0], $0xffff;
	_ =	sdelay $0x4  }
0x5c: {  	[tilespmem:$0x180E0] =	vst v1  }
0x5d: {  	v0 =	vld.idx.msk [tilespmem:v0+s16+$0x0], $0xffff;
	_ =	sdelay $0x4  }
0x5e: {  	[tilespmem:$0x182E0] =	vst v0  }
0x5f: {  	v0 =	vld [tilespmem:s4+$0xA0];
	_ =	sdelay $0x7  }
0x60: {  	v1 =	vld.idx.msk [tilespmem:v0+s14+$0x0], $0xffff;
	_ =	sdelay $0x4  }
0x61: {  	[tilespmem:$0x17EF0] =	vst v1  }
0x62: {  	v1 =	vld.idx.msk [tilespmem:v0+s15+$0x0], $0xffff;
	_ =	sdelay $0x4  }
0x63: {  	[tilespmem:$0x180F0] =	vst v1  }
0x64: {  	v0 =	vld.idx.msk [tilespmem:v0+s16+$0x0], $0xffff;
	_ =	sdelay $0x4  }
0x65: {  	[tilespmem:$0x182F0] =	vst v0  }
0x66: {  	v0 =	vld [tilespmem:s4+$0xB0];
	_ =	sdelay $0x7  }
0x67: {  	v1 =	vld.idx.msk [tilespmem:v0+s14+$0x0], $0xffff;
	_ =	sdelay $0x4  }
0x68: {  	[tilespmem:$0x17F00] =	vst v1  }
0x69: {  	v1 =	vld.idx.msk [tilespmem:v0+s15+$0x0], $0xffff;
	_ =	sdelay $0x4  }
0x6a: {  	[tilespmem:$0x18100] =	vst v1  }
0x6b: {  	v0 =	vld.idx.msk [tilespmem:v0+s16+$0x0], $0xffff;
	_ =	sdelay $0x4  }
0x6c: {  	[tilespmem:$0x18300] =	vst v0  }
0x6d: {  	v0 =	vld [tilespmem:s4+$0xC0];
	_ =	sdelay $0x7  }
0x6e: {  	v1 =	vld.idx.msk [tilespmem:v0+s14+$0x0], $0xffff;
	_ =	sdelay $0x4  }
0x6f: {  	[tilespmem:$0x17F10] =	vst v1  }
0x70: {  	v1 =	vld.idx.msk [tilespmem:v0+s15+$0x0], $0xffff;
	_ =	sdelay $0x4  }
0x71: {  	[tilespmem:$0x18110] =	vst v1  }
0x72: {  	v0 =	vld.idx.msk [tilespmem:v0+s16+$0x0], $0xffff;
	_ =	sdelay $0x4  }
0x73: {  	[tilespmem:$0x18310] =	vst v0  }
0x74: {  	v0 =	vld [tilespmem:s4+$0x100];
	_ =	sdelay $0x7  }
0x75: {  	v1 =	vld.idx.msk [tilespmem:v0+s14+$0x0], $0xffff;
	_ =	sdelay $0x4  }
0x76: {  	[tilespmem:$0x17F20] =	vst v1  }
0x77: {  	v1 =	vld.idx.msk [tilespmem:v0+s15+$0x0], $0xffff;
	_ =	sdelay $0x4  }
0x78: {  	[tilespmem:$0x18120] =	vst v1  }
0x79: {  	v0 =	vld.idx.msk [tilespmem:v0+s16+$0x0], $0xffff;
	_ =	sdelay $0x4  }
0x7a: {  	[tilespmem:$0x18320] =	vst v0  }
0x7b: {  	v0 =	vld [tilespmem:s4+$0x110];
	_ =	sdelay $0x7  }
0x7c: {  	v1 =	vld.idx.msk [tilespmem:v0+s14+$0x0], $0xffff;
	_ =	sdelay $0x4  }
0x7d: {  	[tilespmem:$0x17F30] =	vst v1  }
0x7e: {  	v1 =	vld.idx.msk [tilespmem:v0+s15+$0x0], $0xffff;
	_ =	sdelay $0x4  }
0x7f: {  	[tilespmem:$0x18130] =	vst v1  }
0x80: {  	v0 =	vld.idx.msk [tilespmem:v0+s16+$0x0], $0xffff;
	_ =	sdelay $0x4  }
0x81: {  	[tilespmem:$0x18330] =	vst v0  }
0x82: {  	v0 =	vld [tilespmem:s4+$0x120];
	_ =	sdelay $0x7  }
0x83: {  	v1 =	vld.idx.msk [tilespmem:v0+s14+$0x0], $0xffff;
	_ =	sdelay $0x4  }
0x84: {  	[tilespmem:$0x17F40] =	vst v1  }
0x85: {  	v1 =	vld.idx.msk [tilespmem:v0+s15+$0x0], $0xffff;
	_ =	sdelay $0x4  }
0x86: {  	[tilespmem:$0x18140] =	vst v1  }
0x87: {  	v0 =	vld.idx.msk [tilespmem:v0+s16+$0x0], $0xffff;
	_ =	sdelay $0x4  }
0x88: {  	[tilespmem:$0x18340] =	vst v0  }
0x89: {  	v0 =	vld [tilespmem:s4+$0x130];
	_ =	sdelay $0x7  }
0x8a: {  	v1 =	vld.idx.msk [tilespmem:v0+s14+$0x0], $0xffff;
	_ =	sdelay $0x4  }
0x8b: {  	[tilespmem:$0x17F50] =	vst v1  }
0x8c: {  	v1 =	vld.idx.msk [tilespmem:v0+s15+$0x0], $0xffff;
	_ =	sdelay $0x4  }
0x8d: {  	[tilespmem:$0x18150] =	vst v1  }
0x8e: {  	v0 =	vld.idx.msk [tilespmem:v0+s16+$0x0], $0xffff;
	_ =	sdelay $0x4  }
0x8f: {  	[tilespmem:$0x18350] =	vst v0  }
0x90: {  	v0 =	vld [tilespmem:s4+$0x140];
	_ =	sdelay $0x7  }
0x91: {  	v1 =	vld.idx.msk [tilespmem:v0+s14+$0x0], $0xffff;
	_ =	sdelay $0x4  }
0x92: {  	[tilespmem:$0x17F60] =	vst v1  }
0x93: {  	v1 =	vld.idx.msk [tilespmem:v0+s15+$0x0], $0xffff;
	_ =	sdelay $0x4  }
0x94: {  	[tilespmem:$0x18160] =	vst v1  }
0x95: {  	v0 =	vld.idx.msk [tilespmem:v0+s16+$0x0], $0xffff;
	_ =	sdelay $0x4  }
0x96: {  	[tilespmem:$0x18360] =	vst v0  }
0x97: {  	v0 =	vld [tilespmem:s4+$0x180];
	_ =	sdelay $0x7  }
0x98: {  	v1 =	vld.idx.msk [tilespmem:v0+s14+$0x0], $0xffff;
	_ =	sdelay $0x4  }
0x99: {  	[tilespmem:$0x17F70] =	vst v1  }
0x9a: {  	v1 =	vld.idx.msk [tilespmem:v0+s15+$0x0], $0xffff;
	_ =	sdelay $0x4  }
0x9b: {  	[tilespmem:$0x18170] =	vst v1  }
0x9c: {  	v0 =	vld.idx.msk [tilespmem:v0+s16+$0x0], $0xffff;
	_ =	sdelay $0x4  }
0x9d: {  	[tilespmem:$0x18370] =	vst v0  }
0x9e: {  	v0 =	vld [tilespmem:s4+$0x190];
	_ =	sdelay $0x7  }
0x9f: {  	v1 =	vld.idx.msk [tilespmem:v0+s14+$0x0], $0xffff;
	_ =	sdelay $0x4  }
0xa0: {  	[tilespmem:$0x17F80] =	vst v1  }
0xa1: {  	v1 =	vld.idx.msk [tilespmem:v0+s15+$0x0], $0xffff;
	_ =	sdelay $0x4  }
0xa2: {  	[tilespmem:$0x18180] =	vst v1  }
0xa3: {  	v0 =	vld.idx.msk [tilespmem:v0+s16+$0x0], $0xffff;
	_ =	sdelay $0x4  }
0xa4: {  	[tilespmem:$0x18380] =	vst v0  }
0xa5: {  	v0 =	vld [tilespmem:s4+$0x1A0];
	_ =	sdelay $0x7  }
0xa6: {  	v1 =	vld.idx.msk [tilespmem:v0+s14+$0x0], $0xffff;
	_ =	sdelay $0x4  }
0xa7: {  	[tilespmem:$0x17F90] =	vst v1  }
0xa8: {  	v1 =	vld.idx.msk [tilespmem:v0+s15+$0x0], $0xffff;
	_ =	sdelay $0x4  }
0xa9: {  	[tilespmem:$0x18190] =	vst v1  }
0xaa: {  	v0 =	vld.idx.msk [tilespmem:v0+s16+$0x0], $0xffff;
	_ =	sdelay $0x4  }
0xab: {  	[tilespmem:$0x18390] =	vst v0  }
0xac: {  	v0 =	vld [tilespmem:s4+$0x1B0];
	_ =	sdelay $0x7  }
0xad: {  	v1 =	vld.idx.msk [tilespmem:v0+s14+$0x0], $0xffff;
	_ =	sdelay $0x4  }
0xae: {  	[tilespmem:$0x17FA0] =	vst v1  }
0xaf: {  	v1 =	vld.idx.msk [tilespmem:v0+s15+$0x0], $0xffff;
	_ =	sdelay $0x4  }
0xb0: {  	[tilespmem:$0x181A0] =	vst v1  }
0xb1: {  	v0 =	vld.idx.msk [tilespmem:v0+s16+$0x0], $0xffff;
	_ =	sdelay $0x4  }
0xb2: {  	[tilespmem:$0x183A0] =	vst v0  }
0xb3: {  	v0 =	vld [tilespmem:s4+$0x1C0];
	_ =	sdelay $0x7  }
0xb4: {  	v1 =	vld.idx.msk [tilespmem:v0+s14+$0x0], $0xffff;
	_ =	sdelay $0x4  }
0xb5: {  	[tilespmem:$0x17FB0] =	vst v1  }
0xb6: {  	v1 =	vld.idx.msk [tilespmem:v0+s15+$0x0], $0xffff;
	_ =	sdelay $0x4  }
0xb7: {  	[tilespmem:$0x181B0] =	vst v1  }
0xb8: {  	v0 =	vld.idx.msk [tilespmem:v0+s16+$0x0], $0xffff;
	_ =	sdelay $0x4  }
0xb9: {  	[tilespmem:$0x183B0] =	vst v0  }
0xba: {  	v0 =	vld [tilespmem:s4+$0x200];
	_ =	sdelay $0x7  }
0xbb: {  	v1 =	vld.idx.msk [tilespmem:v0+s14+$0x0], $0xffff;
	_ =	sdelay $0x4  }
0xbc: {  	[tilespmem:$0x17FC0] =	vst v1  }
0xbd: {  	v1 =	vld.idx.msk [tilespmem:v0+s15+$0x0], $0xffff;
	_ =	sdelay $0x4  }
0xbe: {  	[tilespmem:$0x181C0] =	vst v1  }
0xbf: {  	v0 =	vld.idx.msk [tilespmem:v0+s16+$0x0], $0xffff;
	_ =	sdelay $0x4  }
0xc0: {  	[tilespmem:$0x183C0] =	vst v0  }
0xc1: {  	v0 =	vld [tilespmem:s4+$0x210];
	_ =	sdelay $0x7  }
0xc2: {  	v1 =	vld.idx.msk [tilespmem:v0+s14+$0x0], $0xffff;
	_ =	sdelay $0x4  }
0xc3: {  	[tilespmem:$0x17FD0] =	vst v1  }
0xc4: {  	v1 =	vld.idx.msk [tilespmem:v0+s15+$0x0], $0xffff;
	_ =	sdelay $0x4  }
0xc5: {  	[tilespmem:$0x181D0] =	vst v1  }
0xc6: {  	v0 =	vld.idx.msk [tilespmem:v0+s16+$0x0], $0xffff;
	_ =	sdelay $0x4  }
0xc7: {  	[tilespmem:$0x183D0] =	vst v0  }
0xc8: {  	v0 =	vld [tilespmem:s4+$0x220];
	_ =	sdelay $0x7  }
0xc9: {  	v1 =	vld.idx.msk [tilespmem:v0+s14+$0x0], $0xffff;
	_ =	sdelay $0x4  }
0xca: {  	[tilespmem:$0x17FE0] =	vst v1  }
0xcb: {  	v1 =	vld.idx.msk [tilespmem:v0+s15+$0x0], $0xffff;
	_ =	sdelay $0x4  }
0xcc: {  	[tilespmem:$0x181E0] =	vst v1  }
0xcd: {  	v0 =	vld.idx.msk [tilespmem:v0+s16+$0x0], $0xffff;
	_ =	sdelay $0x4  }
0xce: {  	[tilespmem:$0x183E0] =	vst v0  }
0xcf: {  	v0 =	vld [tilespmem:s4+$0x230];
	_ =	sdelay $0x7  }
0xd0: {  	v1 =	vld.idx.msk [tilespmem:v0+s14+$0x0], $0xffff;
	_ =	sdelay $0x4  }
0xd1: {  	[tilespmem:$0x17FF0] =	vst v1  }
0xd2: {  	v1 =	vld.idx.msk [tilespmem:v0+s15+$0x0], $0xffff;
	_ =	sdelay $0x4  }
0xd3: {  	[tilespmem:$0x181F0] =	vst v1  }
0xd4: {  	v0 =	vld.idx.msk [tilespmem:v0+s16+$0x0], $0xffff;
	_ =	sdelay $0x4  }
0xd5: {  	[tilespmem:$0x183F0] =	vst v0  }
0xd6: {  	v0 =	vld [tilespmem:s4+$0x240];
	_ =	sdelay $0x7  }
0xd7: {  	v1 =	vld.idx.msk [tilespmem:v0+s14+$0x0], $0xffff;
	_ =	sdelay $0x4  }
0xd8: {  	[tilespmem:$0x18000] =	vst v1  }
0xd9: {  	v1 =	vld.idx.msk [tilespmem:v0+s15+$0x0], $0xffff;
	_ =	sdelay $0x4  }
0xda: {  	[tilespmem:$0x18200] =	vst v1  }
0xdb: {  	v0 =	vld.idx.msk [tilespmem:v0+s16+$0x0], $0xffff;
	_ =	sdelay $0x4  }
0xdc: {  	[tilespmem:$0x18400] =	vst v0  }
0xdd: {  	_ =	swait.ge [sflag:s23], $0x2800  }
0xde: {  	[sflag:s23] =	ssyncset.done $0x0  }
0xdf: {  	[sflag:s23] =	ssyncadd.s32 $0xFFFFD800  }
0xe0: {  	_ =	swait.ge [sflag:s23], $0x2800  }
0xe1: {  	[sflag:s23] =	ssyncset.done $0x0  }
0xe2: {  	[sflag:s23] =	ssyncadd.s32 $0xFFFFD800  }
0xe3: {  	_ =	swait.ge [sflag:s23], $0x2800  }
0xe4: {  	[sflag:s23] =	ssyncset.done $0x0  }
0xe5: {  	[sflag:s23] =	ssyncadd.s32 $0xFFFFD800  }
0xe6: {  	_ =	swait.ge [sflag:s23], $0x2800  }
0xe7: {  	[sflag:s23] =	ssyncset.done $0x0  }
0xe8: {  	[sflag:s23] =	ssyncadd.s32 $0xFFFFD800  }
0xe9: {  	_ =	swait.ge [sflag:s23], $0x2800  }
0xea: {  	[sflag:s23] =	ssyncset.done $0x0  }
0xeb: {  	[sflag:s23] =	ssyncadd.s32 $0xFFFFD800  }
0xec: {  	[hbm4b:s8+s3] =	stream.linear.scatter [tilespmem:s18], [sflag:$0x2], $0xC800, $0x38;
	[tilespmem:$0x18480] =	vst v63  }
0xed: {  	_ =	swait.ge [sflag:s13], $0xC800  }
0xee: {  	[sflag:s13] =	ssyncset.done $0x0  }
0xef: {  	[sflag:s13] =	ssyncadd.s32 $0xFFFF3800  }
0xf0: {  	[hbm4b:s29+s3] =	stream.linear.scatter [tilespmem:s24], [sflag:$0x2], $0x190, $0x38;
	[tilespmem:$0x18480] =	vst v63  }
0xf1: {  	_ =	swait.ge [sflag:s13], $0x190  }
0xf2: {  	[sflag:s13] =	ssyncset.done $0x0  }
0xf3: {  	[sflag:s13] =	ssyncadd.s32 $0xFFFFFE70  }
0xf4: {  	[hbm4b:s30+s3] =	stream.linear.scatter [tilespmem:s25], [sflag:$0x2], $0x190, $0x38;
	[tilespmem:$0x18480] =	vst v63  }
0xf5: {  	_ =	swait.ge [sflag:s13], $0x190  }
0xf6: {  	p0 =	sne.s32 s1, $0xF000;
	[sflag:s13] =	ssyncset.done $0x0  }
.Ltmp0:
0xf7: {  	[sflag:s13] =	ssyncadd.s32 $0xFFFFFE70;
	(pc) =	sbr.rel @p0 .LBB2_2-.Ltmp0, $4  }
0xf8: {  	[hbm4b:s31+s3] =	stream.linear.scatter [tilespmem:s26], [sflag:$0x2], $0x190, $0x38;
	[tilespmem:$0x18480] =	vst v63  }
0xf9: {  	s1 =	sadd.s32 $0xA00, s1;
	_ =	swait.ge [sflag:s13], $0x190  }
0xfa: {  	s8 =	sadd.s32 $0x1900, s8;
	s29 =	sadd.s32 $0x32, s29;
	[sflag:s13] =	ssyncset.done $0x0  }
0xfb: {  	s30 =	sadd.s32 $0x32, s30;
	s31 =	sadd.s32 $0x32, s31;
	[sflag:s13] =	ssyncadd.s32 $0xFFFFFE70  }
0xfc: {  	s28 =	sadd.s32 $0x1, s28  }
0xfd: {  	p0 =	sne.s32 s28, s10  }
.Ltmp1:
0xfe: {  	_ = 	snop;
	(pc) =	sbr.rel @p0 .LBB2_1-.Ltmp1, $1  }
0xff: {  	_ =	sdelay $0x3  }
0x100: {  	_ =	sfence.sel $0x180000  }
0x101: {  	[bflag:$0x0] =	sbarrier.arrive $0xFFFF  }
0x102: {  	_ =	strace $0x90000047  }
0x103: {  	s0 =	stileid.u32;
	[bflag:$0x2] =	sbarrier.arrive $0xFFFF  }
0x104: {  	p0 =	sne.s32 s0, $0x0;
	s0 =	rddreg [dreg:$0x3]  }
0x105: {  	s0 =	sadd.s32 @!p0 $0x100000, s0  }
0x106: {  	[sflag:s0] =	ssyncadd.tile.s32 @!p0 $0x1;
	_ =	shalt  }
.Lfunc_end2:
_tile_overlayer_lowered:
.L_overlay_start_2:
0x107: {  	(tag) =	ssettag $0x2  }
0x108: {  	s0 =	rddreg [dreg:$0x0];
	s2 =	stileid.u32  }
0x109: {  	s1 =	rddreg [dreg:$0x1];
	p0 =	sne.s32 s2, $0x0  }
0x10a: {  	s3 =	rddreg [dreg:$0x2];
	[bflag:$0x3] =	sbarrier.arrive $0xFFFF;
	s2 =	simm.s32 @!p0 $0x1C02  }
0x10b: {  	[timem:s3], [sflag:s2] =	dma.local @!p0 [hbm:s0], s1  }
0x10c: {  	s0 =	simm.s32 @!p0 $0x2  }
0x10d: {  	_ =	swait.ge @!p0 [sflag:s0], s1  }
0x10e: {  	s1 =	ssub.s32 @!p0 $0x0, s1;
	[sflag:s0] =	ssyncset.done @!p0 $0x0  }
0x10f: {  	[sflag:s0] =	ssyncadd.s32 @!p0 s1  }
0x110: {  	[bflag:$0x3] =	sbarrier.arrive $0xFFFF  }
0x111: {  	_ =	shalt  }

</sc_bundles>
